<compile_context>
chip_gen: v7x
topology: tpu7x:2x2x1
jax: 0.10.2.dev20260603
libtpu: 0.0.44.dev20260713+nightly
codegen_flags: <defaults>
</compile_context>

<pallas_src>
import functools

import jax
import jax.numpy as jnp
from jax import lax
from jax.experimental import pallas as pl
from jax.experimental.pallas import tpu as pltpu
from jax.experimental.pallas import tpu_sc as plsc

B, S, MK, MF, D = 16, 512, 8, 16, 128
LK, LF = 1024, 2048
TBS = B * S
TB_SRC = TBS * (MK + 1)
IMG_SRC = B * (LK + 1)
IMG_BASE = TB_SRC
NLP_BASE = TB_SRC + IMG_SRC
MASK_ROW = NLP_BASE + IMG_SRC

OUT_T = TBS * (MF + 1)
OUT_I0 = OUT_T
IN_ROWS = 2 * B * (LF + 1)
OUT_ROWS = OUT_T + IN_ROWS
U_LEN = LF + 1

NW = 32
G_PER_W = TBS // NW
TR_PER_W = G_PER_W * (MF + 1)
TCH = TR_PER_W // 128
W_ROWS = 2048
UCH = W_ROWS // 128
TAIL = IN_ROWS - NW * W_ROWS


def _sc_revert(table, tidx, iidx, nidx):
    mesh = plsc.VectorSubcoreMesh(core_axis_name="c", subcore_axis_name="s")

    @functools.partial(
        pl.kernel,
        mesh=mesh,
        out_type=jax.ShapeDtypeStruct((OUT_ROWS, D), jnp.float32),
        compiler_params=pltpu.CompilerParams(needs_layout_passes=False),
        scratch_types=[
            pltpu.VMEM((G_PER_W * MF,), jnp.int32),
            pltpu.VMEM((TCH, 128), jnp.int32),
            pltpu.VMEM((2 * LF,), jnp.int32),
            pltpu.VMEM((UCH, 128), jnp.int32),
            pltpu.VMEM((TAIL,), jnp.int32),
            pltpu.VMEM((128, D), jnp.float32),
            pltpu.SemaphoreType.DMA,
        ],
    )
    def k(table_h, tidx_h, iidx_h, nidx_h, out_h,
          tidx_v, gidx_t, idx2, gidx_u, gidx_x, rows_v, sem):
        w = lax.axis_index("s") * 2 + lax.axis_index("c")
        lane = lax.iota(jnp.int32, 16)

        pltpu.sync_copy(tidx_h.at[pl.ds(w * (G_PER_W * MF), G_PER_W * MF)], tidx_v)

        def fill_t(r, carry):
            for jj in range(8):
                lr = r * 128 + jj * 16 + lane
                lbs = lax.div(lr, jnp.int32(17))
                m = lr - lbs * 17
                pos = jnp.maximum(lbs * MF + m - 1, 0)
                e = plsc.load_gather(tidx_v, [pos])
                base = (w * G_PER_W + lbs) * (MK + 1)
                gi = jnp.where(m == 0, base,
                               jnp.where(e < MK, base + 1 + e, MASK_ROW))
                gidx_t[r, pl.ds(jj * 16, 16)] = gi
            return carry

        lax.fori_loop(0, TCH, fill_t, 0)

        def gath_t(c, carry):
            pltpu.async_copy(table_h.at[gidx_t.at[c]], rows_v, sem).wait()
            pltpu.sync_copy(rows_v, out_h.at[pl.ds(w * TR_PER_W + c * 128, 128)])
            return carry

        lax.fori_loop(0, TCH, gath_t, 0)

        r0 = w * W_ROWS
        u0 = r0 // U_LEN
        units = [u0, jnp.minimum(u0 + 1, 2 * B - 1)]
        for t in range(2):
            uu = units[t]
            bb = lax.rem(uu, B)

            @pl.when(uu < B)
            def _():
                pltpu.sync_copy(iidx_h.at[pl.ds(bb * LF, LF)],
                                idx2.at[pl.ds(t * LF, LF)])

            @pl.when(uu >= B)
            def _():
                pltpu.sync_copy(nidx_h.at[pl.ds(bb * LF, LF)],
                                idx2.at[pl.ds(t * LF, LF)])

        def unit_gi(R):
            u = lax.div(R, jnp.int32(U_LEN))
            p = R - u * U_LEN
            tb_vec = jnp.where(u < B, IMG_BASE + u * (LK + 1),
                               NLP_BASE + (u - B) * (LK + 1))
            pos = (u - u0) * LF + jnp.maximum(p - 1, 0)
            e = plsc.load_gather(idx2, [pos])
            return jnp.where(p == 0, tb_vec,
                             jnp.where(e < LK, tb_vec + 1 + e, MASK_ROW))

        def fill_u(r, carry):
            for jj in range(8):
                R = r0 + r * 128 + jj * 16 + lane
                gidx_u[r, pl.ds(jj * 16, 16)] = unit_gi(R)
            return carry

        lax.fori_loop(0, UCH, fill_u, 0)

        def gath_u(c, carry):
            pltpu.async_copy(table_h.at[gidx_u.at[c]], rows_v, sem).wait()
            pltpu.sync_copy(rows_v, out_h.at[pl.ds(OUT_I0 + r0 + c * 128, 128)])
            return carry

        lax.fori_loop(0, UCH, gath_u, 0)

        @pl.when(w == NW - 1)
        def _():
            for jj in range(TAIL // 16):
                R = NW * W_ROWS + jj * 16 + lane
                gidx_x[pl.ds(jj * 16, 16)] = unit_gi(R)
            pltpu.async_copy(table_h.at[gidx_x], rows_v.at[pl.ds(0, TAIL)],
                             sem).wait()
            pltpu.sync_copy(rows_v.at[pl.ds(0, TAIL)],
                            out_h.at[pl.ds(OUT_I0 + NW * W_ROWS, TAIL)])

    return k(table, tidx, iidx, nidx)


def kernel(temporal_block_encoding, img, nlp, mask_token,
           temporal_block_revert_idx, img_revert_idx, nlp_revert_idx):
    table = jnp.concatenate(
        [
            temporal_block_encoding.reshape(TB_SRC, D),
            img.reshape(IMG_SRC, D),
            nlp.reshape(IMG_SRC, D),
            mask_token.astype(jnp.float32),
        ],
        axis=0,
    )
    out = _sc_revert(
        table,
        temporal_block_revert_idx.reshape(-1).astype(jnp.int32),
        img_revert_idx.reshape(-1).astype(jnp.int32),
        nlp_revert_idx.reshape(-1).astype(jnp.int32),
    )
    return out.reshape(-1)

# --- scband reference (transcript-rebuilt; emitter-appended) ---
"""Pipeline reference for scband-revert-4715874091593 (READ-ONLY COPY).

The authoritative reference and input builder live on the scoring server;
editing this copy changes nothing except your own understanding.
"""

import jax, jax.numpy as jnp
import numpy as np


def _temporal_revert(tb, mask_token, revert_idx):
    g = tb[:, :, :1, :]
    valid = tb[:, :, 1:, :]
    B, S, Mk, D = valid.shape
    Mf = revert_idx.shape[-1]
    mt = jnp.broadcast_to(mask_token[None, None, :, :], (B, S, Mf - Mk, D))
    valid = jnp.concatenate([valid, mt], axis=-2)
    idx = jnp.broadcast_to(revert_idx[..., None], (B, S, Mf, D))
    rev = jnp.take_along_axis(valid, idx, axis=-2)
    return jnp.concatenate([g, rev], axis=-2)


def _non_temporal_revert(data, mask_token, revert_idx):
    g = data[:, :1, :]
    valid = data[:, 1:, :]
    B, Lk, D = valid.shape
    Lf = revert_idx.shape[-1]
    mt = jnp.broadcast_to(mask_token[None, :, :], (B, Lf - Lk, D))
    valid = jnp.concatenate([valid, mt], axis=1)
    idx = jnp.broadcast_to(revert_idx[:, :, None], (B, Lf, D))
    rev = jnp.take_along_axis(valid, idx, axis=1)
    return jnp.concatenate([g, rev], axis=1)


def setup_inputs(seed: int = 0) -> dict:
    key = jax.random.key(seed)
    k = jax.random.split(key, 8)
    B, S, Mk, Mf, D = 16, 512, 8, 16, 128
    Lk, Lf = 1024, 2048
    return {
        "temporal_block_encoding": jax.random.normal(k[0], (B, S, Mk + 1, D), dtype=jnp.float32),
        "img": jax.random.normal(k[1], (B, Lk + 1, D), dtype=jnp.float32),
        "nlp": jax.random.normal(k[2], (B, Lk + 1, D), dtype=jnp.float32),
        "mask_token": jax.random.uniform(k[3], (1, D), dtype=jnp.float32),
        "temporal_block_revert_idx": jax.random.randint(k[4], (B, S, Mf), 0, Mf, dtype=jnp.int64) if jax.config.jax_enable_x64 else jax.random.randint(k[4], (B, S, Mf), 0, Mf),
        "img_revert_idx": jax.random.randint(k[5], (B, Lf), 0, Lf),
        "nlp_revert_idx": jax.random.randint(k[6], (B, Lf), 0, Lf),
    }


def reference(temporal_block_encoding, img, nlp, mask_token, temporal_block_revert_idx, img_revert_idx, nlp_revert_idx):
    t = _temporal_revert(temporal_block_encoding, mask_token, temporal_block_revert_idx)
    i = _non_temporal_revert(img, mask_token, img_revert_idx)
    n = _non_temporal_revert(nlp, mask_token, nlp_revert_idx)
    # pack the result dict deterministically: temporal cols (stacked), then img, then nlp
    return jnp.concatenate([t.reshape(-1), i.reshape(-1), n.reshape(-1)])

if __name__ == "__main__":
    import jax
    _d = setup_inputs()
    print(jax.jit(kernel)(*tuple(_d.values())))

</pallas_src>

<mosaic_0001>
#map = affine_map<(d0, d1) -> (0, 0)>
#map1 = affine_map<(d0, d1) -> (0)>
module attributes {stable_mosaic.version = 14 : i64} {
  func.func @k(%arg0: i32, %arg1: i32, %arg2: memref<106529x128xf32, #tpu.memory_space<hbm>>, %arg3: memref<131072xi32, #tpu.memory_space<hbm>>, %arg4: memref<32768xi32, #tpu.memory_space<hbm>>, %arg5: memref<32768xi32, #tpu.memory_space<hbm>>, %arg6: memref<204832x128xf32, #tpu.memory_space<hbm>>, %arg7: memref<4096xi32, #tpu.memory_space<vmem>>, %arg8: memref<34x128xi32, #tpu.memory_space<vmem>>, %arg9: memref<4096xi32, #tpu.memory_space<vmem>>, %arg10: memref<16x128xi32, #tpu.memory_space<vmem>>, %arg11: memref<32xi32, #tpu.memory_space<vmem>>, %arg12: memref<128x128xf32, #tpu.memory_space<vmem>>, %arg13: memref<!tpu.dma_semaphore, #tpu.memory_space<semaphore_mem>>) attributes {dimension_semantics = [#tpu.dimension_semantics<core_parallel>, #tpu.dimension_semantics<subcore_parallel>], iteration_bounds = array<i64: 2, 16>, scalar_prefetch = 0 : i64, scratch_operands = 7 : i64, tpu.core_type = #tpu.core_type<sc_vector_subcore>, window_params = [{transform_indices = #map}, {transform_indices = #map1}, {transform_indices = #map1}, {transform_indices = #map1}, {transform_indices = #map}]} {
    %mul3A = arith.constant 2 : i32
    %mul3A_0 = arith.muli %arg1, %mul3A : i32
    %add3A = arith.addi %mul3A_0, %arg0 : i32
    %iota3A = tpu.iota {dimensions = array<i32: 0>} : vector<16xi32>
    %mul3A_1 = arith.constant 4096 : i32
    %mul3A_2 = arith.muli %add3A, %mul3A_1 : i32
    "tpu.region"() ({
      %run_scoped3A = tpu.sem_alloc : memref<!tpu.dma_semaphore, #tpu.memory_space<semaphore_mem>>
      %dma_start3A = tpu.memref_slice %arg3[%mul3A_2] : memref<131072xi32, #tpu.memory_space<hbm>> -> memref<4096xi32, #tpu.memory_space<hbm>>
      %dma_start3A_71 = tpu.memref_slice %arg3[%mul3A_2] : memref<131072xi32, #tpu.memory_space<hbm>> -> memref<4096xi32, #tpu.memory_space<hbm>>
      tpu.enqueue_dma source(%dma_start3A_71 : memref<4096xi32, #tpu.memory_space<hbm>>) target(%arg7 : memref<4096xi32, #tpu.memory_space<vmem>>) target_semaphore(%run_scoped3A : memref<!tpu.dma_semaphore, #tpu.memory_space<semaphore_mem>>)
      %dma_wait3A = tpu.memref_slice %arg3[%mul3A_2] : memref<131072xi32, #tpu.memory_space<hbm>> -> memref<4096xi32, #tpu.memory_space<hbm>>
      %dma_wait3A_72 = tpu.memref_slice %arg3[%mul3A_2] : memref<131072xi32, #tpu.memory_space<hbm>> -> memref<4096xi32, #tpu.memory_space<hbm>>
      tpu.wait_dma2 semaphore(%run_scoped3A : memref<!tpu.dma_semaphore, #tpu.memory_space<semaphore_mem>>) src(%dma_wait3A_72 : memref<4096xi32, #tpu.memory_space<hbm>>) dst(%arg7 : memref<4096xi32, #tpu.memory_space<vmem>>)
      tpu.yield
    }) : () -> ()
    %scan3A = arith.constant 0 : i32
    %scan3A_3 = arith.constant 0 : i32
    %scan3A_4 = arith.constant 34 : i32
    %scan3A_5 = arith.addi %scan3A_3, %scan3A_4 : i32
    %scan3A_6 = arith.constant 1 : i32
    scf.for %scan3A_71 = %scan3A_3 to %scan3A_5 step %scan3A_6  : i32 {
      %mul3A_72 = arith.constant 128 : i32
      %mul3A_73 = arith.muli %scan3A_71, %mul3A_72 : i32
      %add3A_74 = arith.constant 0 : i32
      %add3A_75 = arith.addi %mul3A_73, %add3A_74 : i32
      %add3A_76 = vector.broadcast %add3A_75 : i32 to vector<16xi32>
      %add3A_77 = arith.addi %add3A_76, %iota3A : vector<16xi32>
      %div3A_78 = arith.constant 17 : i32
      %div3A_79 = vector.broadcast %div3A_78 : i32 to vector<16xi32>
      %div3A_80 = arith.divsi %add3A_77, %div3A_79 : vector<16xi32>
      %mul3A_81 = arith.constant 17 : i32
      %mul3A_82 = vector.broadcast %mul3A_81 : i32 to vector<16xi32>
      %mul3A_83 = arith.muli %div3A_80, %mul3A_82 : vector<16xi32>
      %sub3A_84 = arith.subi %add3A_77, %mul3A_83 : vector<16xi32>
      %mul3A_85 = arith.constant 16 : i32
      %mul3A_86 = vector.broadcast %mul3A_85 : i32 to vector<16xi32>
      %mul3A_87 = arith.muli %div3A_80, %mul3A_86 : vector<16xi32>
      %add3A_88 = arith.addi %mul3A_87, %sub3A_84 : vector<16xi32>
      %sub3A_89 = arith.constant 1 : i32
      %sub3A_90 = vector.broadcast %sub3A_89 : i32 to vector<16xi32>
      %sub3A_91 = arith.subi %add3A_88, %sub3A_90 : vector<16xi32>
      %max3A = arith.constant 0 : i32
      %max3A_92 = vector.broadcast %max3A : i32 to vector<16xi32>
      %max3A_93 = arith.maxsi %sub3A_91, %max3A_92 : vector<16xi32>
      %gather3A = tpu.vector_load_idx %arg7[%max3A_93] : memref<4096xi32, #tpu.memory_space<vmem>>[vector<16xi32>], vector<16xi32>,
      %mul3A_94 = arith.constant 256 : i32
      %mul3A_95 = arith.muli %add3A, %mul3A_94 : i32
      %add3A_96 = vector.broadcast %mul3A_95 : i32 to vector<16xi32>
      %add3A_97 = arith.addi %add3A_96, %div3A_80 : vector<16xi32>
      %mul3A_98 = arith.constant 9 : i32
      %mul3A_99 = vector.broadcast %mul3A_98 : i32 to vector<16xi32>
      %mul3A_100 = arith.muli %add3A_97, %mul3A_99 : vector<16xi32>
      %eq3A_101 = arith.constant 0 : i32
      %eq3A_102 = vector.broadcast %eq3A_101 : i32 to vector<16xi32>
      %eq3A_103 = arith.cmpi eq, %sub3A_84, %eq3A_102 : vector<16xi32>
      %lt3A_104 = arith.constant 8 : i32
      %lt3A_105 = vector.broadcast %lt3A_104 : i32 to vector<16xi32>
      %lt3A_106 = arith.cmpi slt, %gather3A, %lt3A_105 : vector<16xi32>
      %add3A_107 = arith.constant 1 : i32
      %add3A_108 = vector.broadcast %add3A_107 : i32 to vector<16xi32>
      %add3A_109 = arith.addi %mul3A_100, %add3A_108 : vector<16xi32>
      %add3A_110 = arith.addi %add3A_109, %gather3A : vector<16xi32>
      %jit3A_111 = arith.constant 106528 : i32
      %broadcast_in_dim3A = vector.broadcast %jit3A_111 : i32 to vector<16xi32>
      %select_n3A_112 = arith.select %lt3A_106, %add3A_110, %broadcast_in_dim3A : vector<16xi1>, vector<16xi32>
      %select_n3A_113 = arith.select %eq3A_103, %mul3A_100, %select_n3A_112 : vector<16xi1>, vector<16xi32>
      %swap3A = arith.index_cast %scan3A_71 : i32 to index
      %swap3A_114 = arith.constant 0 : index
      %swap3A_115 = tpu.vector_load %arg8[%swap3A, %swap3A_114] {strides = array<i32>} : memref<34x128xi32, #tpu.memory_space<vmem>>, vector<16xi32>,
      tpu.vector_store %arg8[%swap3A, %swap3A_114], %select_n3A_113 {strides = array<i32>} : memref<34x128xi32, #tpu.memory_space<vmem>>, vector<16xi32>,
      %mul3A_116 = arith.constant 128 : i32
      %mul3A_117 = arith.muli %scan3A_71, %mul3A_116 : i32
      %add3A_118 = arith.constant 16 : i32
      %add3A_119 = arith.addi %mul3A_117, %add3A_118 : i32
      %add3A_120 = vector.broadcast %add3A_119 : i32 to vector<16xi32>
      %add3A_121 = arith.addi %add3A_120, %iota3A : vector<16xi32>
      %div3A_122 = arith.constant 17 : i32
      %div3A_123 = vector.broadcast %div3A_122 : i32 to vector<16xi32>
      %div3A_124 = arith.divsi %add3A_121, %div3A_123 : vector<16xi32>
      %mul3A_125 = arith.constant 17 : i32
      %mul3A_126 = vector.broadcast %mul3A_125 : i32 to vector<16xi32>
      %mul3A_127 = arith.muli %div3A_124, %mul3A_126 : vector<16xi32>
      %sub3A_128 = arith.subi %add3A_121, %mul3A_127 : vector<16xi32>
      %mul3A_129 = arith.constant 16 : i32
      %mul3A_130 = vector.broadcast %mul3A_129 : i32 to vector<16xi32>
      %mul3A_131 = arith.muli %div3A_124, %mul3A_130 : vector<16xi32>
      %add3A_132 = arith.addi %mul3A_131, %sub3A_128 : vector<16xi32>
      %sub3A_133 = arith.constant 1 : i32
      %sub3A_134 = vector.broadcast %sub3A_133 : i32 to vector<16xi32>
      %sub3A_135 = arith.subi %add3A_132, %sub3A_134 : vector<16xi32>
      %max3A_136 = arith.constant 0 : i32
      %max3A_137 = vector.broadcast %max3A_136 : i32 to vector<16xi32>
      %max3A_138 = arith.maxsi %sub3A_135, %max3A_137 : vector<16xi32>
      %gather3A_139 = tpu.vector_load_idx %arg7[%max3A_138] : memref<4096xi32, #tpu.memory_space<vmem>>[vector<16xi32>], vector<16xi32>,
      %mul3A_140 = arith.constant 256 : i32
      %mul3A_141 = arith.muli %add3A, %mul3A_140 : i32
      %add3A_142 = vector.broadcast %mul3A_141 : i32 to vector<16xi32>
      %add3A_143 = arith.addi %add3A_142, %div3A_124 : vector<16xi32>
      %mul3A_144 = arith.constant 9 : i32
      %mul3A_145 = vector.broadcast %mul3A_144 : i32 to vector<16xi32>
      %mul3A_146 = arith.muli %add3A_143, %mul3A_145 : vector<16xi32>
      %eq3A_147 = arith.constant 0 : i32
      %eq3A_148 = vector.broadcast %eq3A_147 : i32 to vector<16xi32>
      %eq3A_149 = arith.cmpi eq, %sub3A_128, %eq3A_148 : vector<16xi32>
      %lt3A_150 = arith.constant 8 : i32
      %lt3A_151 = vector.broadcast %lt3A_150 : i32 to vector<16xi32>
      %lt3A_152 = arith.cmpi slt, %gather3A_139, %lt3A_151 : vector<16xi32>
      %add3A_153 = arith.constant 1 : i32
      %add3A_154 = vector.broadcast %add3A_153 : i32 to vector<16xi32>
      %add3A_155 = arith.addi %mul3A_146, %add3A_154 : vector<16xi32>
      %add3A_156 = arith.addi %add3A_155, %gather3A_139 : vector<16xi32>
      %jit3A_157 = arith.constant 106528 : i32
      %broadcast_in_dim3A_158 = vector.broadcast %jit3A_157 : i32 to vector<16xi32>
      %select_n3A_159 = arith.select %lt3A_152, %add3A_156, %broadcast_in_dim3A_158 : vector<16xi1>, vector<16xi32>
      %select_n3A_160 = arith.select %eq3A_149, %mul3A_146, %select_n3A_159 : vector<16xi1>, vector<16xi32>
      %swap3A_161 = arith.index_cast %scan3A_71 : i32 to index
      %swap3A_162 = arith.constant 16 : index
      %swap3A_163 = tpu.vector_load %arg8[%swap3A_161, %swap3A_162] {strides = array<i32>} : memref<34x128xi32, #tpu.memory_space<vmem>>, vector<16xi32>,
      tpu.vector_store %arg8[%swap3A_161, %swap3A_162], %select_n3A_160 {strides = array<i32>} : memref<34x128xi32, #tpu.memory_space<vmem>>, vector<16xi32>,
      %mul3A_164 = arith.constant 128 : i32
      %mul3A_165 = arith.muli %scan3A_71, %mul3A_164 : i32
      %add3A_166 = arith.constant 32 : i32
      %add3A_167 = arith.addi %mul3A_165, %add3A_166 : i32
      %add3A_168 = vector.broadcast %add3A_167 : i32 to vector<16xi32>
      %add3A_169 = arith.addi %add3A_168, %iota3A : vector<16xi32>
      %div3A_170 = arith.constant 17 : i32
      %div3A_171 = vector.broadcast %div3A_170 : i32 to vector<16xi32>
      %div3A_172 = arith.divsi %add3A_169, %div3A_171 : vector<16xi32>
      %mul3A_173 = arith.constant 17 : i32
      %mul3A_174 = vector.broadcast %mul3A_173 : i32 to vector<16xi32>
      %mul3A_175 = arith.muli %div3A_172, %mul3A_174 : vector<16xi32>
      %sub3A_176 = arith.subi %add3A_169, %mul3A_175 : vector<16xi32>
      %mul3A_177 = arith.constant 16 : i32
      %mul3A_178 = vector.broadcast %mul3A_177 : i32 to vector<16xi32>
      %mul3A_179 = arith.muli %div3A_172, %mul3A_178 : vector<16xi32>
      %add3A_180 = arith.addi %mul3A_179, %sub3A_176 : vector<16xi32>
      %sub3A_181 = arith.constant 1 : i32
      %sub3A_182 = vector.broadcast %sub3A_181 : i32 to vector<16xi32>
      %sub3A_183 = arith.subi %add3A_180, %sub3A_182 : vector<16xi32>
      %max3A_184 = arith.constant 0 : i32
      %max3A_185 = vector.broadcast %max3A_184 : i32 to vector<16xi32>
      %max3A_186 = arith.maxsi %sub3A_183, %max3A_185 : vector<16xi32>
      %gather3A_187 = tpu.vector_load_idx %arg7[%max3A_186] : memref<4096xi32, #tpu.memory_space<vmem>>[vector<16xi32>], vector<16xi32>,
      %mul3A_188 = arith.constant 256 : i32
      %mul3A_189 = arith.muli %add3A, %mul3A_188 : i32
      %add3A_190 = vector.broadcast %mul3A_189 : i32 to vector<16xi32>
      %add3A_191 = arith.addi %add3A_190, %div3A_172 : vector<16xi32>
      %mul3A_192 = arith.constant 9 : i32
      %mul3A_193 = vector.broadcast %mul3A_192 : i32 to vector<16xi32>
      %mul3A_194 = arith.muli %add3A_191, %mul3A_193 : vector<16xi32>
      %eq3A_195 = arith.constant 0 : i32
      %eq3A_196 = vector.broadcast %eq3A_195 : i32 to vector<16xi32>
      %eq3A_197 = arith.cmpi eq, %sub3A_176, %eq3A_196 : vector<16xi32>
      %lt3A_198 = arith.constant 8 : i32
      %lt3A_199 = vector.broadcast %lt3A_198 : i32 to vector<16xi32>
      %lt3A_200 = arith.cmpi slt, %gather3A_187, %lt3A_199 : vector<16xi32>
      %add3A_201 = arith.constant 1 : i32
      %add3A_202 = vector.broadcast %add3A_201 : i32 to vector<16xi32>
      %add3A_203 = arith.addi %mul3A_194, %add3A_202 : vector<16xi32>
      %add3A_204 = arith.addi %add3A_203, %gather3A_187 : vector<16xi32>
      %jit3A_205 = arith.constant 106528 : i32
      %broadcast_in_dim3A_206 = vector.broadcast %jit3A_205 : i32 to vector<16xi32>
      %select_n3A_207 = arith.select %lt3A_200, %add3A_204, %broadcast_in_dim3A_206 : vector<16xi1>, vector<16xi32>
      %select_n3A_208 = arith.select %eq3A_197, %mul3A_194, %select_n3A_207 : vector<16xi1>, vector<16xi32>
      %swap3A_209 = arith.index_cast %scan3A_71 : i32 to index
      %swap3A_210 = arith.constant 32 : index
      %swap3A_211 = tpu.vector_load %arg8[%swap3A_209, %swap3A_210] {strides = array<i32>} : memref<34x128xi32, #tpu.memory_space<vmem>>, vector<16xi32>,
      tpu.vector_store %arg8[%swap3A_209, %swap3A_210], %select_n3A_208 {strides = array<i32>} : memref<34x128xi32, #tpu.memory_space<vmem>>, vector<16xi32>,
      %mul3A_212 = arith.constant 128 : i32
      %mul3A_213 = arith.muli %scan3A_71, %mul3A_212 : i32
      %add3A_214 = arith.constant 48 : i32
      %add3A_215 = arith.addi %mul3A_213, %add3A_214 : i32
      %add3A_216 = vector.broadcast %add3A_215 : i32 to vector<16xi32>
      %add3A_217 = arith.addi %add3A_216, %iota3A : vector<16xi32>
      %div3A_218 = arith.constant 17 : i32
      %div3A_219 = vector.broadcast %div3A_218 : i32 to vector<16xi32>
      %div3A_220 = arith.divsi %add3A_217, %div3A_219 : vector<16xi32>
      %mul3A_221 = arith.constant 17 : i32
      %mul3A_222 = vector.broadcast %mul3A_221 : i32 to vector<16xi32>
      %mul3A_223 = arith.muli %div3A_220, %mul3A_222 : vector<16xi32>
      %sub3A_224 = arith.subi %add3A_217, %mul3A_223 : vector<16xi32>
      %mul3A_225 = arith.constant 16 : i32
      %mul3A_226 = vector.broadcast %mul3A_225 : i32 to vector<16xi32>
      %mul3A_227 = arith.muli %div3A_220, %mul3A_226 : vector<16xi32>
      %add3A_228 = arith.addi %mul3A_227, %sub3A_224 : vector<16xi32>
      %sub3A_229 = arith.constant 1 : i32
      %sub3A_230 = vector.broadcast %sub3A_229 : i32 to vector<16xi32>
      %sub3A_231 = arith.subi %add3A_228, %sub3A_230 : vector<16xi32>
      %max3A_232 = arith.constant 0 : i32
      %max3A_233 = vector.broadcast %max3A_232 : i32 to vector<16xi32>
      %max3A_234 = arith.maxsi %sub3A_231, %max3A_233 : vector<16xi32>
      %gather3A_235 = tpu.vector_load_idx %arg7[%max3A_234] : memref<4096xi32, #tpu.memory_space<vmem>>[vector<16xi32>], vector<16xi32>,
      %mul3A_236 = arith.constant 256 : i32
      %mul3A_237 = arith.muli %add3A, %mul3A_236 : i32
      %add3A_238 = vector.broadcast %mul3A_237 : i32 to vector<16xi32>
      %add3A_239 = arith.addi %add3A_238, %div3A_220 : vector<16xi32>
      %mul3A_240 = arith.constant 9 : i32
      %mul3A_241 = vector.broadcast %mul3A_240 : i32 to vector<16xi32>
      %mul3A_242 = arith.muli %add3A_239, %mul3A_241 : vector<16xi32>
      %eq3A_243 = arith.constant 0 : i32
      %eq3A_244 = vector.broadcast %eq3A_243 : i32 to vector<16xi32>
      %eq3A_245 = arith.cmpi eq, %sub3A_224, %eq3A_244 : vector<16xi32>
      %lt3A_246 = arith.constant 8 : i32
      %lt3A_247 = vector.broadcast %lt3A_246 : i32 to vector<16xi32>
      %lt3A_248 = arith.cmpi slt, %gather3A_235, %lt3A_247 : vector<16xi32>
      %add3A_249 = arith.constant 1 : i32
      %add3A_250 = vector.broadcast %add3A_249 : i32 to vector<16xi32>
      %add3A_251 = arith.addi %mul3A_242, %add3A_250 : vector<16xi32>
      %add3A_252 = arith.addi %add3A_251, %gather3A_235 : vector<16xi32>
      %jit3A_253 = arith.constant 106528 : i32
      %broadcast_in_dim3A_254 = vector.broadcast %jit3A_253 : i32 to vector<16xi32>
      %select_n3A_255 = arith.select %lt3A_248, %add3A_252, %broadcast_in_dim3A_254 : vector<16xi1>, vector<16xi32>
      %select_n3A_256 = arith.select %eq3A_245, %mul3A_242, %select_n3A_255 : vector<16xi1>, vector<16xi32>
      %swap3A_257 = arith.index_cast %scan3A_71 : i32 to index
      %swap3A_258 = arith.constant 48 : index
      %swap3A_259 = tpu.vector_load %arg8[%swap3A_257, %swap3A_258] {strides = array<i32>} : memref<34x128xi32, #tpu.memory_space<vmem>>, vector<16xi32>,
      tpu.vector_store %arg8[%swap3A_257, %swap3A_258], %select_n3A_256 {strides = array<i32>} : memref<34x128xi32, #tpu.memory_space<vmem>>, vector<16xi32>,
      %mul3A_260 = arith.constant 128 : i32
      %mul3A_261 = arith.muli %scan3A_71, %mul3A_260 : i32
      %add3A_262 = arith.constant 64 : i32
      %add3A_263 = arith.addi %mul3A_261, %add3A_262 : i32
      %add3A_264 = vector.broadcast %add3A_263 : i32 to vector<16xi32>
      %add3A_265 = arith.addi %add3A_264, %iota3A : vector<16xi32>
      %div3A_266 = arith.constant 17 : i32
      %div3A_267 = vector.broadcast %div3A_266 : i32 to vector<16xi32>
      %div3A_268 = arith.divsi %add3A_265, %div3A_267 : vector<16xi32>
      %mul3A_269 = arith.constant 17 : i32
      %mul3A_270 = vector.broadcast %mul3A_269 : i32 to vector<16xi32>
      %mul3A_271 = arith.muli %div3A_268, %mul3A_270 : vector<16xi32>
      %sub3A_272 = arith.subi %add3A_265, %mul3A_271 : vector<16xi32>
      %mul3A_273 = arith.constant 16 : i32
      %mul3A_274 = vector.broadcast %mul3A_273 : i32 to vector<16xi32>
      %mul3A_275 = arith.muli %div3A_268, %mul3A_274 : vector<16xi32>
      %add3A_276 = arith.addi %mul3A_275, %sub3A_272 : vector<16xi32>
      %sub3A_277 = arith.constant 1 : i32
      %sub3A_278 = vector.broadcast %sub3A_277 : i32 to vector<16xi32>
      %sub3A_279 = arith.subi %add3A_276, %sub3A_278 : vector<16xi32>
      %max3A_280 = arith.constant 0 : i32
      %max3A_281 = vector.broadcast %max3A_280 : i32 to vector<16xi32>
      %max3A_282 = arith.maxsi %sub3A_279, %max3A_281 : vector<16xi32>
      %gather3A_283 = tpu.vector_load_idx %arg7[%max3A_282] : memref<4096xi32, #tpu.memory_space<vmem>>[vector<16xi32>], vector<16xi32>,
      %mul3A_284 = arith.constant 256 : i32
      %mul3A_285 = arith.muli %add3A, %mul3A_284 : i32
      %add3A_286 = vector.broadcast %mul3A_285 : i32 to vector<16xi32>
      %add3A_287 = arith.addi %add3A_286, %div3A_268 : vector<16xi32>
      %mul3A_288 = arith.constant 9 : i32
      %mul3A_289 = vector.broadcast %mul3A_288 : i32 to vector<16xi32>
      %mul3A_290 = arith.muli %add3A_287, %mul3A_289 : vector<16xi32>
      %eq3A_291 = arith.constant 0 : i32
      %eq3A_292 = vector.broadcast %eq3A_291 : i32 to vector<16xi32>
      %eq3A_293 = arith.cmpi eq, %sub3A_272, %eq3A_292 : vector<16xi32>
      %lt3A_294 = arith.constant 8 : i32
      %lt3A_295 = vector.broadcast %lt3A_294 : i32 to vector<16xi32>
      %lt3A_296 = arith.cmpi slt, %gather3A_283, %lt3A_295 : vector<16xi32>
      %add3A_297 = arith.constant 1 : i32
      %add3A_298 = vector.broadcast %add3A_297 : i32 to vector<16xi32>
      %add3A_299 = arith.addi %mul3A_290, %add3A_298 : vector<16xi32>
      %add3A_300 = arith.addi %add3A_299, %gather3A_283 : vector<16xi32>
      %jit3A_301 = arith.constant 106528 : i32
      %broadcast_in_dim3A_302 = vector.broadcast %jit3A_301 : i32 to vector<16xi32>
      %select_n3A_303 = arith.select %lt3A_296, %add3A_300, %broadcast_in_dim3A_302 : vector<16xi1>, vector<16xi32>
      %select_n3A_304 = arith.select %eq3A_293, %mul3A_290, %select_n3A_303 : vector<16xi1>, vector<16xi32>
      %swap3A_305 = arith.index_cast %scan3A_71 : i32 to index
      %swap3A_306 = arith.constant 64 : index
      %swap3A_307 = tpu.vector_load %arg8[%swap3A_305, %swap3A_306] {strides = array<i32>} : memref<34x128xi32, #tpu.memory_space<vmem>>, vector<16xi32>,
      tpu.vector_store %arg8[%swap3A_305, %swap3A_306], %select_n3A_304 {strides = array<i32>} : memref<34x128xi32, #tpu.memory_space<vmem>>, vector<16xi32>,
      %mul3A_308 = arith.constant 128 : i32
      %mul3A_309 = arith.muli %scan3A_71, %mul3A_308 : i32
      %add3A_310 = arith.constant 80 : i32
      %add3A_311 = arith.addi %mul3A_309, %add3A_310 : i32
      %add3A_312 = vector.broadcast %add3A_311 : i32 to vector<16xi32>
      %add3A_313 = arith.addi %add3A_312, %iota3A : vector<16xi32>
      %div3A_314 = arith.constant 17 : i32
      %div3A_315 = vector.broadcast %div3A_314 : i32 to vector<16xi32>
      %div3A_316 = arith.divsi %add3A_313, %div3A_315 : vector<16xi32>
      %mul3A_317 = arith.constant 17 : i32
      %mul3A_318 = vector.broadcast %mul3A_317 : i32 to vector<16xi32>
      %mul3A_319 = arith.muli %div3A_316, %mul3A_318 : vector<16xi32>
      %sub3A_320 = arith.subi %add3A_313, %mul3A_319 : vector<16xi32>
      %mul3A_321 = arith.constant 16 : i32
      %mul3A_322 = vector.broadcast %mul3A_321 : i32 to vector<16xi32>
      %mul3A_323 = arith.muli %div3A_316, %mul3A_322 : vector<16xi32>
      %add3A_324 = arith.addi %mul3A_323, %sub3A_320 : vector<16xi32>
      %sub3A_325 = arith.constant 1 : i32
      %sub3A_326 = vector.broadcast %sub3A_325 : i32 to vector<16xi32>
      %sub3A_327 = arith.subi %add3A_324, %sub3A_326 : vector<16xi32>
      %max3A_328 = arith.constant 0 : i32
      %max3A_329 = vector.broadcast %max3A_328 : i32 to vector<16xi32>
      %max3A_330 = arith.maxsi %sub3A_327, %max3A_329 : vector<16xi32>
      %gather3A_331 = tpu.vector_load_idx %arg7[%max3A_330] : memref<4096xi32, #tpu.memory_space<vmem>>[vector<16xi32>], vector<16xi32>,
      %mul3A_332 = arith.constant 256 : i32
      %mul3A_333 = arith.muli %add3A, %mul3A_332 : i32
      %add3A_334 = vector.broadcast %mul3A_333 : i32 to vector<16xi32>
      %add3A_335 = arith.addi %add3A_334, %div3A_316 : vector<16xi32>
      %mul3A_336 = arith.constant 9 : i32
      %mul3A_337 = vector.broadcast %mul3A_336 : i32 to vector<16xi32>
      %mul3A_338 = arith.muli %add3A_335, %mul3A_337 : vector<16xi32>
      %eq3A_339 = arith.constant 0 : i32
      %eq3A_340 = vector.broadcast %eq3A_339 : i32 to vector<16xi32>
      %eq3A_341 = arith.cmpi eq, %sub3A_320, %eq3A_340 : vector<16xi32>
      %lt3A_342 = arith.constant 8 : i32
      %lt3A_343 = vector.broadcast %lt3A_342 : i32 to vector<16xi32>
      %lt3A_344 = arith.cmpi slt, %gather3A_331, %lt3A_343 : vector<16xi32>
      %add3A_345 = arith.constant 1 : i32
      %add3A_346 = vector.broadcast %add3A_345 : i32 to vector<16xi32>
      %add3A_347 = arith.addi %mul3A_338, %add3A_346 : vector<16xi32>
      %add3A_348 = arith.addi %add3A_347, %gather3A_331 : vector<16xi32>
      %jit3A_349 = arith.constant 106528 : i32
      %broadcast_in_dim3A_350 = vector.broadcast %jit3A_349 : i32 to vector<16xi32>
      %select_n3A_351 = arith.select %lt3A_344, %add3A_348, %broadcast_in_dim3A_350 : vector<16xi1>, vector<16xi32>
      %select_n3A_352 = arith.select %eq3A_341, %mul3A_338, %select_n3A_351 : vector<16xi1>, vector<16xi32>
      %swap3A_353 = arith.index_cast %scan3A_71 : i32 to index
      %swap3A_354 = arith.constant 80 : index
      %swap3A_355 = tpu.vector_load %arg8[%swap3A_353, %swap3A_354] {strides = array<i32>} : memref<34x128xi32, #tpu.memory_space<vmem>>, vector<16xi32>,
      tpu.vector_store %arg8[%swap3A_353, %swap3A_354], %select_n3A_352 {strides = array<i32>} : memref<34x128xi32, #tpu.memory_space<vmem>>, vector<16xi32>,
      %mul3A_356 = arith.constant 128 : i32
      %mul3A_357 = arith.muli %scan3A_71, %mul3A_356 : i32
      %add3A_358 = arith.constant 96 : i32
      %add3A_359 = arith.addi %mul3A_357, %add3A_358 : i32
      %add3A_360 = vector.broadcast %add3A_359 : i32 to vector<16xi32>
      %add3A_361 = arith.addi %add3A_360, %iota3A : vector<16xi32>
      %div3A_362 = arith.constant 17 : i32
      %div3A_363 = vector.broadcast %div3A_362 : i32 to vector<16xi32>
      %div3A_364 = arith.divsi %add3A_361, %div3A_363 : vector<16xi32>
      %mul3A_365 = arith.constant 17 : i32
      %mul3A_366 = vector.broadcast %mul3A_365 : i32 to vector<16xi32>
      %mul3A_367 = arith.muli %div3A_364, %mul3A_366 : vector<16xi32>
      %sub3A_368 = arith.subi %add3A_361, %mul3A_367 : vector<16xi32>
      %mul3A_369 = arith.constant 16 : i32
      %mul3A_370 = vector.broadcast %mul3A_369 : i32 to vector<16xi32>
      %mul3A_371 = arith.muli %div3A_364, %mul3A_370 : vector<16xi32>
      %add3A_372 = arith.addi %mul3A_371, %sub3A_368 : vector<16xi32>
      %sub3A_373 = arith.constant 1 : i32
      %sub3A_374 = vector.broadcast %sub3A_373 : i32 to vector<16xi32>
      %sub3A_375 = arith.subi %add3A_372, %sub3A_374 : vector<16xi32>
      %max3A_376 = arith.constant 0 : i32
      %max3A_377 = vector.broadcast %max3A_376 : i32 to vector<16xi32>
      %max3A_378 = arith.maxsi %sub3A_375, %max3A_377 : vector<16xi32>
      %gather3A_379 = tpu.vector_load_idx %arg7[%max3A_378] : memref<4096xi32, #tpu.memory_space<vmem>>[vector<16xi32>], vector<16xi32>,
      %mul3A_380 = arith.constant 256 : i32
      %mul3A_381 = arith.muli %add3A, %mul3A_380 : i32
      %add3A_382 = vector.broadcast %mul3A_381 : i32 to vector<16xi32>
      %add3A_383 = arith.addi %add3A_382, %div3A_364 : vector<16xi32>
      %mul3A_384 = arith.constant 9 : i32
      %mul3A_385 = vector.broadcast %mul3A_384 : i32 to vector<16xi32>
      %mul3A_386 = arith.muli %add3A_383, %mul3A_385 : vector<16xi32>
      %eq3A_387 = arith.constant 0 : i32
      %eq3A_388 = vector.broadcast %eq3A_387 : i32 to vector<16xi32>
      %eq3A_389 = arith.cmpi eq, %sub3A_368, %eq3A_388 : vector<16xi32>
      %lt3A_390 = arith.constant 8 : i32
      %lt3A_391 = vector.broadcast %lt3A_390 : i32 to vector<16xi32>
      %lt3A_392 = arith.cmpi slt, %gather3A_379, %lt3A_391 : vector<16xi32>
      %add3A_393 = arith.constant 1 : i32
      %add3A_394 = vector.broadcast %add3A_393 : i32 to vector<16xi32>
      %add3A_395 = arith.addi %mul3A_386, %add3A_394 : vector<16xi32>
      %add3A_396 = arith.addi %add3A_395, %gather3A_379 : vector<16xi32>
      %jit3A_397 = arith.constant 106528 : i32
      %broadcast_in_dim3A_398 = vector.broadcast %jit3A_397 : i32 to vector<16xi32>
      %select_n3A_399 = arith.select %lt3A_392, %add3A_396, %broadcast_in_dim3A_398 : vector<16xi1>, vector<16xi32>
      %select_n3A_400 = arith.select %eq3A_389, %mul3A_386, %select_n3A_399 : vector<16xi1>, vector<16xi32>
      %swap3A_401 = arith.index_cast %scan3A_71 : i32 to index
      %swap3A_402 = arith.constant 96 : index
      %swap3A_403 = tpu.vector_load %arg8[%swap3A_401, %swap3A_402] {strides = array<i32>} : memref<34x128xi32, #tpu.memory_space<vmem>>, vector<16xi32>,
      tpu.vector_store %arg8[%swap3A_401, %swap3A_402], %select_n3A_400 {strides = array<i32>} : memref<34x128xi32, #tpu.memory_space<vmem>>, vector<16xi32>,
      %mul3A_404 = arith.constant 128 : i32
      %mul3A_405 = arith.muli %scan3A_71, %mul3A_404 : i32
      %add3A_406 = arith.constant 112 : i32
      %add3A_407 = arith.addi %mul3A_405, %add3A_406 : i32
      %add3A_408 = vector.broadcast %add3A_407 : i32 to vector<16xi32>
      %add3A_409 = arith.addi %add3A_408, %iota3A : vector<16xi32>
      %div3A_410 = arith.constant 17 : i32
      %div3A_411 = vector.broadcast %div3A_410 : i32 to vector<16xi32>
      %div3A_412 = arith.divsi %add3A_409, %div3A_411 : vector<16xi32>
      %mul3A_413 = arith.constant 17 : i32
      %mul3A_414 = vector.broadcast %mul3A_413 : i32 to vector<16xi32>
      %mul3A_415 = arith.muli %div3A_412, %mul3A_414 : vector<16xi32>
      %sub3A_416 = arith.subi %add3A_409, %mul3A_415 : vector<16xi32>
      %mul3A_417 = arith.constant 16 : i32
      %mul3A_418 = vector.broadcast %mul3A_417 : i32 to vector<16xi32>
      %mul3A_419 = arith.muli %div3A_412, %mul3A_418 : vector<16xi32>
      %add3A_420 = arith.addi %mul3A_419, %sub3A_416 : vector<16xi32>
      %sub3A_421 = arith.constant 1 : i32
      %sub3A_422 = vector.broadcast %sub3A_421 : i32 to vector<16xi32>
      %sub3A_423 = arith.subi %add3A_420, %sub3A_422 : vector<16xi32>
      %max3A_424 = arith.constant 0 : i32
      %max3A_425 = vector.broadcast %max3A_424 : i32 to vector<16xi32>
      %max3A_426 = arith.maxsi %sub3A_423, %max3A_425 : vector<16xi32>
      %gather3A_427 = tpu.vector_load_idx %arg7[%max3A_426] : memref<4096xi32, #tpu.memory_space<vmem>>[vector<16xi32>], vector<16xi32>,
      %mul3A_428 = arith.constant 256 : i32
      %mul3A_429 = arith.muli %add3A, %mul3A_428 : i32
      %add3A_430 = vector.broadcast %mul3A_429 : i32 to vector<16xi32>
      %add3A_431 = arith.addi %add3A_430, %div3A_412 : vector<16xi32>
      %mul3A_432 = arith.constant 9 : i32
      %mul3A_433 = vector.broadcast %mul3A_432 : i32 to vector<16xi32>
      %mul3A_434 = arith.muli %add3A_431, %mul3A_433 : vector<16xi32>
      %eq3A_435 = arith.constant 0 : i32
      %eq3A_436 = vector.broadcast %eq3A_435 : i32 to vector<16xi32>
      %eq3A_437 = arith.cmpi eq, %sub3A_416, %eq3A_436 : vector<16xi32>
      %lt3A_438 = arith.constant 8 : i32
      %lt3A_439 = vector.broadcast %lt3A_438 : i32 to vector<16xi32>
      %lt3A_440 = arith.cmpi slt, %gather3A_427, %lt3A_439 : vector<16xi32>
      %add3A_441 = arith.constant 1 : i32
      %add3A_442 = vector.broadcast %add3A_441 : i32 to vector<16xi32>
      %add3A_443 = arith.addi %mul3A_434, %add3A_442 : vector<16xi32>
      %add3A_444 = arith.addi %add3A_443, %gather3A_427 : vector<16xi32>
      %jit3A_445 = arith.constant 106528 : i32
      %broadcast_in_dim3A_446 = vector.broadcast %jit3A_445 : i32 to vector<16xi32>
      %select_n3A_447 = arith.select %lt3A_440, %add3A_444, %broadcast_in_dim3A_446 : vector<16xi1>, vector<16xi32>
      %select_n3A_448 = arith.select %eq3A_437, %mul3A_434, %select_n3A_447 : vector<16xi1>, vector<16xi32>
      %swap3A_449 = arith.index_cast %scan3A_71 : i32 to index
      %swap3A_450 = arith.constant 112 : index
      %swap3A_451 = tpu.vector_load %arg8[%swap3A_449, %swap3A_450] {strides = array<i32>} : memref<34x128xi32, #tpu.memory_space<vmem>>, vector<16xi32>,
      tpu.vector_store %arg8[%swap3A_449, %swap3A_450], %select_n3A_448 {strides = array<i32>} : memref<34x128xi32, #tpu.memory_space<vmem>>, vector<16xi32>,
    }
    %scan3A_7 = arith.constant 34 : i32
    %scan3A_8 = arith.constant 0 : i32
    %scan3A_9 = arith.constant 0 : i32
    %scan3A_10 = arith.constant 34 : i32
    %scan3A_11 = arith.addi %scan3A_9, %scan3A_10 : i32
    %scan3A_12 = arith.constant 1 : i32
    scf.for %scan3A_71 = %scan3A_9 to %scan3A_11 step %scan3A_12  : i32 {
      %dma_start3A = arith.constant 0 : i32
      %dma_start3A_72 = tpu.memref_slice %arg8[%scan3A_71, %dma_start3A] : memref<34x128xi32, #tpu.memory_space<vmem>> -> memref<1x128xi32, #tpu.memory_space<vmem>>
      %dma_start3A_73 = tpu.memref_squeeze %dma_start3A_72 : memref<1x128xi32, #tpu.memory_space<vmem>> -> memref<128xi32, #tpu.memory_space<vmem>>
      %dma_start3A_74 = arith.constant 0 : i32
      %dma_start3A_75 = arith.constant 0 : i32
      %dma_start3A_76 = tpu.memref_slice %arg2[%dma_start3A_74, %dma_start3A_75] : memref<106529x128xf32, #tpu.memory_space<hbm>> -> memref<106529x128xf32, #tpu.memory_space<hbm>>
      tpu.enqueue_indirect_dma source(%dma_start3A_76 : memref<106529x128xf32, #tpu.memory_space<hbm>>) target(%arg12 : memref<128x128xf32, #tpu.memory_space<vmem>>) offsets(%dma_start3A_73 : memref<128xi32, #tpu.memory_space<vmem>>) semaphore(%arg13 : memref<!tpu.dma_semaphore, #tpu.memory_space<semaphore_mem>>)
      %dma_wait3A = arith.constant 0 : i32
      %dma_wait3A_77 = tpu.memref_slice %arg8[%scan3A_71, %dma_wait3A] : memref<34x128xi32, #tpu.memory_space<vmem>> -> memref<1x128xi32, #tpu.memory_space<vmem>>
      %dma_wait3A_78 = tpu.memref_squeeze %dma_wait3A_77 : memref<1x128xi32, #tpu.memory_space<vmem>> -> memref<128xi32, #tpu.memory_space<vmem>>
      %dma_wait3A_79 = arith.constant 0 : i32
      %dma_wait3A_80 = arith.constant 0 : i32
      %dma_wait3A_81 = tpu.memref_slice %arg2[%dma_wait3A_79, %dma_wait3A_80] : memref<106529x128xf32, #tpu.memory_space<hbm>> -> memref<106529x128xf32, #tpu.memory_space<hbm>>
      tpu.wait_indirect_dma semaphore(%arg13 : memref<!tpu.dma_semaphore, #tpu.memory_space<semaphore_mem>>) src(%dma_wait3A_81 : memref<106529x128xf32, #tpu.memory_space<hbm>>) dst(%arg12 : memref<128x128xf32, #tpu.memory_space<vmem>>)
      %mul3A_82 = arith.constant 4352 : i32
      %mul3A_83 = arith.muli %add3A, %mul3A_82 : i32
      %mul3A_84 = arith.constant 128 : i32
      %mul3A_85 = arith.muli %scan3A_71, %mul3A_84 : i32
      %add3A_86 = arith.addi %mul3A_83, %mul3A_85 : i32
      "tpu.region"() ({
        %run_scoped3A = tpu.sem_alloc : memref<!tpu.dma_semaphore, #tpu.memory_space<semaphore_mem>>
        %dma_start3A_87 = arith.constant 0 : i32
        %dma_start3A_88 = tpu.memref_slice %arg6[%add3A_86, %dma_start3A_87] : memref<204832x128xf32, #tpu.memory_space<hbm>> -> memref<128x128xf32, #tpu.memory_space<hbm>>
        %dma_start3A_89 = arith.constant 0 : i32
        %dma_start3A_90 = tpu.memref_slice %arg6[%add3A_86, %dma_start3A_89] : memref<204832x128xf32, #tpu.memory_space<hbm>> -> memref<128x128xf32, #tpu.memory_space<hbm>>
        tpu.enqueue_dma source(%arg12 : memref<128x128xf32, #tpu.memory_space<vmem>>) target(%dma_start3A_90 : memref<128x128xf32, #tpu.memory_space<hbm>>) target_semaphore(%run_scoped3A : memref<!tpu.dma_semaphore, #tpu.memory_space<semaphore_mem>>)
        %dma_wait3A_91 = arith.constant 0 : i32
        %dma_wait3A_92 = tpu.memref_slice %arg6[%add3A_86, %dma_wait3A_91] : memref<204832x128xf32, #tpu.memory_space<hbm>> -> memref<128x128xf32, #tpu.memory_space<hbm>>
        %dma_wait3A_93 = arith.constant 0 : i32
        %dma_wait3A_94 = tpu.memref_slice %arg6[%add3A_86, %dma_wait3A_93] : memref<204832x128xf32, #tpu.memory_space<hbm>> -> memref<128x128xf32, #tpu.memory_space<hbm>>
        tpu.wait_dma2 semaphore(%run_scoped3A : memref<!tpu.dma_semaphore, #tpu.memory_space<semaphore_mem>>) src(%arg12 : memref<128x128xf32, #tpu.memory_space<vmem>>) dst(%dma_wait3A_94 : memref<128x128xf32, #tpu.memory_space<hbm>>)
        tpu.yield
      }) : () -> ()
    }
    %scan3A_13 = arith.constant 34 : i32
    %mul3A_14 = arith.constant 2048 : i32
    %mul3A_15 = arith.muli %add3A, %mul3A_14 : i32
    %jit3A = arith.constant 2049 : i32
    %div3A = arith.divsi %mul3A_15, %jit3A : i32
    %sign3A = arith.constant 0 : i32
    %sign3A_16 = arith.cmpi sgt, %mul3A_15, %sign3A : i32
    %sign3A_17 = arith.extui %sign3A_16 : i1 to i32
    %sign3A_18 = arith.constant 0 : i32
    %sign3A_19 = arith.cmpi slt, %mul3A_15, %sign3A_18 : i32
    %sign3A_20 = arith.extui %sign3A_19 : i1 to i32
    %sign3A_21 = arith.subi %sign3A_17, %sign3A_20 : i32
    %sign3A_22 = arith.constant 0 : i32
    %sign3A_23 = arith.cmpi sgt, %jit3A, %sign3A_22 : i32
    %sign3A_24 = arith.extui %sign3A_23 : i1 to i32
    %sign3A_25 = arith.constant 0 : i32
    %sign3A_26 = arith.cmpi slt, %jit3A, %sign3A_25 : i32
    %sign3A_27 = arith.extui %sign3A_26 : i1 to i32
    %sign3A_28 = arith.subi %sign3A_24, %sign3A_27 : i32
    %ne3A = arith.cmpi ne, %sign3A_21, %sign3A_28 : i32
    %rem3A = arith.remsi %mul3A_15, %jit3A : i32
    %ne3A_29 = arith.constant 0 : i32
    %ne3A_30 = arith.cmpi ne, %rem3A, %ne3A_29 : i32
    %and3A = arith.andi %ne3A, %ne3A_30 : i1
    %sub3A = arith.constant 1 : i32
    %sub3A_31 = arith.subi %div3A, %sub3A : i32
    %select_n3A = arith.select %and3A, %sub3A_31, %div3A : i32
    %add3A_32 = arith.constant 1 : i32
    %add3A_33 = arith.addi %select_n3A, %add3A_32 : i32
    %min3A = arith.constant 31 : i32
    %min3A_34 = arith.minsi %add3A_33, %min3A : i32
    %rem3A_35 = arith.constant 16 : i32
    %rem3A_36 = arith.remsi %select_n3A, %rem3A_35 : i32
    %lt3A = arith.constant 16 : i32
    %lt3A_37 = arith.cmpi slt, %select_n3A, %lt3A : i32
    %convert_element_type3A = arith.extui %lt3A_37 : i1 to i32
    %cond3A = arith.constant 0 : i32
    %cond3A_38 = arith.cmpi ne, %convert_element_type3A, %cond3A : i32
    scf.if %cond3A_38 {
      %mul3A_71 = arith.constant 2048 : i32
      %mul3A_72 = arith.muli %rem3A_36, %mul3A_71 : i32
      "tpu.region"() ({
        %run_scoped3A = tpu.sem_alloc : memref<!tpu.dma_semaphore, #tpu.memory_space<semaphore_mem>>
        %dma_start3A = arith.constant 0 : i32
        %dma_start3A_73 = tpu.memref_slice %arg9[%dma_start3A] : memref<4096xi32, #tpu.memory_space<vmem>> -> memref<2048xi32, #tpu.memory_space<vmem>>
        %dma_start3A_74 = tpu.memref_slice %arg4[%mul3A_72] : memref<32768xi32, #tpu.memory_space<hbm>> -> memref<2048xi32, #tpu.memory_space<hbm>>
        %dma_start3A_75 = arith.constant 0 : i32
        %dma_start3A_76 = tpu.memref_slice %arg9[%dma_start3A_75] : memref<4096xi32, #tpu.memory_space<vmem>> -> memref<2048xi32, #tpu.memory_space<vmem>>
        %dma_start3A_77 = tpu.memref_slice %arg4[%mul3A_72] : memref<32768xi32, #tpu.memory_space<hbm>> -> memref<2048xi32, #tpu.memory_space<hbm>>
        tpu.enqueue_dma source(%dma_start3A_77 : memref<2048xi32, #tpu.memory_space<hbm>>) target(%dma_start3A_76 : memref<2048xi32, #tpu.memory_space<vmem>>) target_semaphore(%run_scoped3A : memref<!tpu.dma_semaphore, #tpu.memory_space<semaphore_mem>>)
        %dma_wait3A = arith.constant 0 : i32
        %dma_wait3A_78 = tpu.memref_slice %arg9[%dma_wait3A] : memref<4096xi32, #tpu.memory_space<vmem>> -> memref<2048xi32, #tpu.memory_space<vmem>>
        %dma_wait3A_79 = tpu.memref_slice %arg4[%mul3A_72] : memref<32768xi32, #tpu.memory_space<hbm>> -> memref<2048xi32, #tpu.memory_space<hbm>>
        %dma_wait3A_80 = arith.constant 0 : i32
        %dma_wait3A_81 = tpu.memref_slice %arg9[%dma_wait3A_80] : memref<4096xi32, #tpu.memory_space<vmem>> -> memref<2048xi32, #tpu.memory_space<vmem>>
        %dma_wait3A_82 = tpu.memref_slice %arg4[%mul3A_72] : memref<32768xi32, #tpu.memory_space<hbm>> -> memref<2048xi32, #tpu.memory_space<hbm>>
        tpu.wait_dma2 semaphore(%run_scoped3A : memref<!tpu.dma_semaphore, #tpu.memory_space<semaphore_mem>>) src(%dma_wait3A_82 : memref<2048xi32, #tpu.memory_space<hbm>>) dst(%dma_wait3A_81 : memref<2048xi32, #tpu.memory_space<vmem>>)
        tpu.yield
      }) : () -> ()
    } else {
    }
    %ge3A = arith.constant 16 : i32
    %ge3A_39 = arith.cmpi sge, %select_n3A, %ge3A : i32
    %convert_element_type3A_40 = arith.extui %ge3A_39 : i1 to i32
    %cond3A_41 = arith.constant 0 : i32
    %cond3A_42 = arith.cmpi ne, %convert_element_type3A_40, %cond3A_41 : i32
    scf.if %cond3A_42 {
      %mul3A_71 = arith.constant 2048 : i32
      %mul3A_72 = arith.muli %rem3A_36, %mul3A_71 : i32
      "tpu.region"() ({
        %run_scoped3A = tpu.sem_alloc : memref<!tpu.dma_semaphore, #tpu.memory_space<semaphore_mem>>
        %dma_start3A = arith.constant 0 : i32
        %dma_start3A_73 = tpu.memref_slice %arg9[%dma_start3A] : memref<4096xi32, #tpu.memory_space<vmem>> -> memref<2048xi32, #tpu.memory_space<vmem>>
        %dma_start3A_74 = tpu.memref_slice %arg5[%mul3A_72] : memref<32768xi32, #tpu.memory_space<hbm>> -> memref<2048xi32, #tpu.memory_space<hbm>>
        %dma_start3A_75 = arith.constant 0 : i32
        %dma_start3A_76 = tpu.memref_slice %arg9[%dma_start3A_75] : memref<4096xi32, #tpu.memory_space<vmem>> -> memref<2048xi32, #tpu.memory_space<vmem>>
        %dma_start3A_77 = tpu.memref_slice %arg5[%mul3A_72] : memref<32768xi32, #tpu.memory_space<hbm>> -> memref<2048xi32, #tpu.memory_space<hbm>>
        tpu.enqueue_dma source(%dma_start3A_77 : memref<2048xi32, #tpu.memory_space<hbm>>) target(%dma_start3A_76 : memref<2048xi32, #tpu.memory_space<vmem>>) target_semaphore(%run_scoped3A : memref<!tpu.dma_semaphore, #tpu.memory_space<semaphore_mem>>)
        %dma_wait3A = arith.constant 0 : i32
        %dma_wait3A_78 = tpu.memref_slice %arg9[%dma_wait3A] : memref<4096xi32, #tpu.memory_space<vmem>> -> memref<2048xi32, #tpu.memory_space<vmem>>
        %dma_wait3A_79 = tpu.memref_slice %arg5[%mul3A_72] : memref<32768xi32, #tpu.memory_space<hbm>> -> memref<2048xi32, #tpu.memory_space<hbm>>
        %dma_wait3A_80 = arith.constant 0 : i32
        %dma_wait3A_81 = tpu.memref_slice %arg9[%dma_wait3A_80] : memref<4096xi32, #tpu.memory_space<vmem>> -> memref<2048xi32, #tpu.memory_space<vmem>>
        %dma_wait3A_82 = tpu.memref_slice %arg5[%mul3A_72] : memref<32768xi32, #tpu.memory_space<hbm>> -> memref<2048xi32, #tpu.memory_space<hbm>>
        tpu.wait_dma2 semaphore(%run_scoped3A : memref<!tpu.dma_semaphore, #tpu.memory_space<semaphore_mem>>) src(%dma_wait3A_82 : memref<2048xi32, #tpu.memory_space<hbm>>) dst(%dma_wait3A_81 : memref<2048xi32, #tpu.memory_space<vmem>>)
        tpu.yield
      }) : () -> ()
    } else {
    }
    %rem3A_43 = arith.constant 16 : i32
    %rem3A_44 = arith.remsi %min3A_34, %rem3A_43 : i32
    %lt3A_45 = arith.constant 16 : i32
    %lt3A_46 = arith.cmpi slt, %min3A_34, %lt3A_45 : i32
    %convert_element_type3A_47 = arith.extui %lt3A_46 : i1 to i32
    %cond3A_48 = arith.constant 0 : i32
    %cond3A_49 = arith.cmpi ne, %convert_element_type3A_47, %cond3A_48 : i32
    scf.if %cond3A_49 {
      %mul3A_71 = arith.constant 2048 : i32
      %mul3A_72 = arith.muli %rem3A_44, %mul3A_71 : i32
      "tpu.region"() ({
        %run_scoped3A = tpu.sem_alloc : memref<!tpu.dma_semaphore, #tpu.memory_space<semaphore_mem>>
        %dma_start3A = arith.constant 2048 : i32
        %dma_start3A_73 = tpu.memref_slice %arg9[%dma_start3A] : memref<4096xi32, #tpu.memory_space<vmem>> -> memref<2048xi32, #tpu.memory_space<vmem>>
        %dma_start3A_74 = tpu.memref_slice %arg4[%mul3A_72] : memref<32768xi32, #tpu.memory_space<hbm>> -> memref<2048xi32, #tpu.memory_space<hbm>>
        %dma_start3A_75 = arith.constant 2048 : i32
        %dma_start3A_76 = tpu.memref_slice %arg9[%dma_start3A_75] : memref<4096xi32, #tpu.memory_space<vmem>> -> memref<2048xi32, #tpu.memory_space<vmem>>
        %dma_start3A_77 = tpu.memref_slice %arg4[%mul3A_72] : memref<32768xi32, #tpu.memory_space<hbm>> -> memref<2048xi32, #tpu.memory_space<hbm>>
        tpu.enqueue_dma source(%dma_start3A_77 : memref<2048xi32, #tpu.memory_space<hbm>>) target(%dma_start3A_76 : memref<2048xi32, #tpu.memory_space<vmem>>) target_semaphore(%run_scoped3A : memref<!tpu.dma_semaphore, #tpu.memory_space<semaphore_mem>>)
        %dma_wait3A = arith.constant 2048 : i32
        %dma_wait3A_78 = tpu.memref_slice %arg9[%dma_wait3A] : memref<4096xi32, #tpu.memory_space<vmem>> -> memref<2048xi32, #tpu.memory_space<vmem>>
        %dma_wait3A_79 = tpu.memref_slice %arg4[%mul3A_72] : memref<32768xi32, #tpu.memory_space<hbm>> -> memref<2048xi32, #tpu.memory_space<hbm>>
        %dma_wait3A_80 = arith.constant 2048 : i32
        %dma_wait3A_81 = tpu.memref_slice %arg9[%dma_wait3A_80] : memref<4096xi32, #tpu.memory_space<vmem>> -> memref<2048xi32, #tpu.memory_space<vmem>>
        %dma_wait3A_82 = tpu.memref_slice %arg4[%mul3A_72] : memref<32768xi32, #tpu.memory_space<hbm>> -> memref<2048xi32, #tpu.memory_space<hbm>>
        tpu.wait_dma2 semaphore(%run_scoped3A : memref<!tpu.dma_semaphore, #tpu.memory_space<semaphore_mem>>) src(%dma_wait3A_82 : memref<2048xi32, #tpu.memory_space<hbm>>) dst(%dma_wait3A_81 : memref<2048xi32, #tpu.memory_space<vmem>>)
        tpu.yield
      }) : () -> ()
    } else {
    }
    %ge3A_50 = arith.constant 16 : i32
    %ge3A_51 = arith.cmpi sge, %min3A_34, %ge3A_50 : i32
    %convert_element_type3A_52 = arith.extui %ge3A_51 : i1 to i32
    %cond3A_53 = arith.constant 0 : i32
    %cond3A_54 = arith.cmpi ne, %convert_element_type3A_52, %cond3A_53 : i32
    scf.if %cond3A_54 {
      %mul3A_71 = arith.constant 2048 : i32
      %mul3A_72 = arith.muli %rem3A_44, %mul3A_71 : i32
      "tpu.region"() ({
        %run_scoped3A = tpu.sem_alloc : memref<!tpu.dma_semaphore, #tpu.memory_space<semaphore_mem>>
        %dma_start3A = arith.constant 2048 : i32
        %dma_start3A_73 = tpu.memref_slice %arg9[%dma_start3A] : memref<4096xi32, #tpu.memory_space<vmem>> -> memref<2048xi32, #tpu.memory_space<vmem>>
        %dma_start3A_74 = tpu.memref_slice %arg5[%mul3A_72] : memref<32768xi32, #tpu.memory_space<hbm>> -> memref<2048xi32, #tpu.memory_space<hbm>>
        %dma_start3A_75 = arith.constant 2048 : i32
        %dma_start3A_76 = tpu.memref_slice %arg9[%dma_start3A_75] : memref<4096xi32, #tpu.memory_space<vmem>> -> memref<2048xi32, #tpu.memory_space<vmem>>
        %dma_start3A_77 = tpu.memref_slice %arg5[%mul3A_72] : memref<32768xi32, #tpu.memory_space<hbm>> -> memref<2048xi32, #tpu.memory_space<hbm>>
        tpu.enqueue_dma source(%dma_start3A_77 : memref<2048xi32, #tpu.memory_space<hbm>>) target(%dma_start3A_76 : memref<2048xi32, #tpu.memory_space<vmem>>) target_semaphore(%run_scoped3A : memref<!tpu.dma_semaphore, #tpu.memory_space<semaphore_mem>>)
        %dma_wait3A = arith.constant 2048 : i32
        %dma_wait3A_78 = tpu.memref_slice %arg9[%dma_wait3A] : memref<4096xi32, #tpu.memory_space<vmem>> -> memref<2048xi32, #tpu.memory_space<vmem>>
        %dma_wait3A_79 = tpu.memref_slice %arg5[%mul3A_72] : memref<32768xi32, #tpu.memory_space<hbm>> -> memref<2048xi32, #tpu.memory_space<hbm>>
        %dma_wait3A_80 = arith.constant 2048 : i32
        %dma_wait3A_81 = tpu.memref_slice %arg9[%dma_wait3A_80] : memref<4096xi32, #tpu.memory_space<vmem>> -> memref<2048xi32, #tpu.memory_space<vmem>>
        %dma_wait3A_82 = tpu.memref_slice %arg5[%mul3A_72] : memref<32768xi32, #tpu.memory_space<hbm>> -> memref<2048xi32, #tpu.memory_space<hbm>>
        tpu.wait_dma2 semaphore(%run_scoped3A : memref<!tpu.dma_semaphore, #tpu.memory_space<semaphore_mem>>) src(%dma_wait3A_82 : memref<2048xi32, #tpu.memory_space<hbm>>) dst(%dma_wait3A_81 : memref<2048xi32, #tpu.memory_space<vmem>>)
        tpu.yield
      }) : () -> ()
    } else {
    }
    %scan3A_55 = arith.constant 0 : i32
    %scan3A_56 = arith.constant 0 : i32
    %scan3A_57 = arith.constant 16 : i32
    %scan3A_58 = arith.addi %scan3A_56, %scan3A_57 : i32
    %scan3A_59 = arith.constant 1 : i32
    scf.for %scan3A_71 = %scan3A_56 to %scan3A_58 step %scan3A_59  : i32 {
      %mul3A_72 = arith.constant 128 : i32
      %mul3A_73 = arith.muli %scan3A_71, %mul3A_72 : i32
      %add3A_74 = arith.addi %mul3A_15, %mul3A_73 : i32
      %add3A_75 = arith.constant 0 : i32
      %add3A_76 = arith.addi %add3A_74, %add3A_75 : i32
      %add3A_77 = vector.broadcast %add3A_76 : i32 to vector<16xi32>
      %add3A_78 = arith.addi %add3A_77, %iota3A : vector<16xi32>
      %div3A_79 = arith.constant 2049 : i32
      %div3A_80 = vector.broadcast %div3A_79 : i32 to vector<16xi32>
      %div3A_81 = arith.divsi %add3A_78, %div3A_80 : vector<16xi32>
      %mul3A_82 = arith.constant 2049 : i32
      %mul3A_83 = vector.broadcast %mul3A_82 : i32 to vector<16xi32>
      %mul3A_84 = arith.muli %div3A_81, %mul3A_83 : vector<16xi32>
      %sub3A_85 = arith.subi %add3A_78, %mul3A_84 : vector<16xi32>
      %lt3A_86 = arith.constant 16 : i32
      %lt3A_87 = vector.broadcast %lt3A_86 : i32 to vector<16xi32>
      %lt3A_88 = arith.cmpi slt, %div3A_81, %lt3A_87 : vector<16xi32>
      %mul3A_89 = arith.constant 1025 : i32
      %mul3A_90 = vector.broadcast %mul3A_89 : i32 to vector<16xi32>
      %mul3A_91 = arith.muli %div3A_81, %mul3A_90 : vector<16xi32>
      %add3A_92 = arith.constant 73728 : i32
      %add3A_93 = vector.broadcast %add3A_92 : i32 to vector<16xi32>
      %add3A_94 = arith.addi %add3A_93, %mul3A_91 : vector<16xi32>
      %sub3A_95 = arith.constant 16 : i32
      %sub3A_96 = vector.broadcast %sub3A_95 : i32 to vector<16xi32>
      %sub3A_97 = arith.subi %div3A_81, %sub3A_96 : vector<16xi32>
      %mul3A_98 = arith.constant 1025 : i32
      %mul3A_99 = vector.broadcast %mul3A_98 : i32 to vector<16xi32>
      %mul3A_100 = arith.muli %sub3A_97, %mul3A_99 : vector<16xi32>
      %add3A_101 = arith.constant 90128 : i32
      %add3A_102 = vector.broadcast %add3A_101 : i32 to vector<16xi32>
      %add3A_103 = arith.addi %add3A_102, %mul3A_100 : vector<16xi32>
      %select_n3A_104 = arith.select %lt3A_88, %add3A_94, %add3A_103 : vector<16xi1>, vector<16xi32>
      %sub3A_105 = vector.broadcast %select_n3A : i32 to vector<16xi32>
      %sub3A_106 = arith.subi %div3A_81, %sub3A_105 : vector<16xi32>
      %mul3A_107 = arith.constant 2048 : i32
      %mul3A_108 = vector.broadcast %mul3A_107 : i32 to vector<16xi32>
      %mul3A_109 = arith.muli %sub3A_106, %mul3A_108 : vector<16xi32>
      %sub3A_110 = arith.constant 1 : i32
      %sub3A_111 = vector.broadcast %sub3A_110 : i32 to vector<16xi32>
      %sub3A_112 = arith.subi %sub3A_85, %sub3A_111 : vector<16xi32>
      %max3A = arith.constant 0 : i32
      %max3A_113 = vector.broadcast %max3A : i32 to vector<16xi32>
      %max3A_114 = arith.maxsi %sub3A_112, %max3A_113 : vector<16xi32>
      %add3A_115 = arith.addi %mul3A_109, %max3A_114 : vector<16xi32>
      %gather3A = tpu.vector_load_idx %arg9[%add3A_115] : memref<4096xi32, #tpu.memory_space<vmem>>[vector<16xi32>], vector<16xi32>,
      %eq3A_116 = arith.constant 0 : i32
      %eq3A_117 = vector.broadcast %eq3A_116 : i32 to vector<16xi32>
      %eq3A_118 = arith.cmpi eq, %sub3A_85, %eq3A_117 : vector<16xi32>
      %lt3A_119 = arith.constant 1024 : i32
      %lt3A_120 = vector.broadcast %lt3A_119 : i32 to vector<16xi32>
      %lt3A_121 = arith.cmpi slt, %gather3A, %lt3A_120 : vector<16xi32>
      %add3A_122 = arith.constant 1 : i32
      %add3A_123 = vector.broadcast %add3A_122 : i32 to vector<16xi32>
      %add3A_124 = arith.addi %select_n3A_104, %add3A_123 : vector<16xi32>
      %add3A_125 = arith.addi %add3A_124, %gather3A : vector<16xi32>
      %jit3A_126 = arith.constant 106528 : i32
      %broadcast_in_dim3A = vector.broadcast %jit3A_126 : i32 to vector<16xi32>
      %select_n3A_127 = arith.select %lt3A_121, %add3A_125, %broadcast_in_dim3A : vector<16xi1>, vector<16xi32>
      %select_n3A_128 = arith.select %eq3A_118, %select_n3A_104, %select_n3A_127 : vector<16xi1>, vector<16xi32>
      %swap3A = arith.index_cast %scan3A_71 : i32 to index
      %swap3A_129 = arith.constant 0 : index
      %swap3A_130 = tpu.vector_load %arg10[%swap3A, %swap3A_129] {strides = array<i32>} : memref<16x128xi32, #tpu.memory_space<vmem>>, vector<16xi32>,
      tpu.vector_store %arg10[%swap3A, %swap3A_129], %select_n3A_128 {strides = array<i32>} : memref<16x128xi32, #tpu.memory_space<vmem>>, vector<16xi32>,
      %mul3A_131 = arith.constant 128 : i32
      %mul3A_132 = arith.muli %scan3A_71, %mul3A_131 : i32
      %add3A_133 = arith.addi %mul3A_15, %mul3A_132 : i32
      %add3A_134 = arith.constant 16 : i32
      %add3A_135 = arith.addi %add3A_133, %add3A_134 : i32
      %add3A_136 = vector.broadcast %add3A_135 : i32 to vector<16xi32>
      %add3A_137 = arith.addi %add3A_136, %iota3A : vector<16xi32>
      %div3A_138 = arith.constant 2049 : i32
      %div3A_139 = vector.broadcast %div3A_138 : i32 to vector<16xi32>
      %div3A_140 = arith.divsi %add3A_137, %div3A_139 : vector<16xi32>
      %mul3A_141 = arith.constant 2049 : i32
      %mul3A_142 = vector.broadcast %mul3A_141 : i32 to vector<16xi32>
      %mul3A_143 = arith.muli %div3A_140, %mul3A_142 : vector<16xi32>
      %sub3A_144 = arith.subi %add3A_137, %mul3A_143 : vector<16xi32>
      %lt3A_145 = arith.constant 16 : i32
      %lt3A_146 = vector.broadcast %lt3A_145 : i32 to vector<16xi32>
      %lt3A_147 = arith.cmpi slt, %div3A_140, %lt3A_146 : vector<16xi32>
      %mul3A_148 = arith.constant 1025 : i32
      %mul3A_149 = vector.broadcast %mul3A_148 : i32 to vector<16xi32>
      %mul3A_150 = arith.muli %div3A_140, %mul3A_149 : vector<16xi32>
      %add3A_151 = arith.constant 73728 : i32
      %add3A_152 = vector.broadcast %add3A_151 : i32 to vector<16xi32>
      %add3A_153 = arith.addi %add3A_152, %mul3A_150 : vector<16xi32>
      %sub3A_154 = arith.constant 16 : i32
      %sub3A_155 = vector.broadcast %sub3A_154 : i32 to vector<16xi32>
      %sub3A_156 = arith.subi %div3A_140, %sub3A_155 : vector<16xi32>
      %mul3A_157 = arith.constant 1025 : i32
      %mul3A_158 = vector.broadcast %mul3A_157 : i32 to vector<16xi32>
      %mul3A_159 = arith.muli %sub3A_156, %mul3A_158 : vector<16xi32>
      %add3A_160 = arith.constant 90128 : i32
      %add3A_161 = vector.broadcast %add3A_160 : i32 to vector<16xi32>
      %add3A_162 = arith.addi %add3A_161, %mul3A_159 : vector<16xi32>
      %select_n3A_163 = arith.select %lt3A_147, %add3A_153, %add3A_162 : vector<16xi1>, vector<16xi32>
      %sub3A_164 = vector.broadcast %select_n3A : i32 to vector<16xi32>
      %sub3A_165 = arith.subi %div3A_140, %sub3A_164 : vector<16xi32>
      %mul3A_166 = arith.constant 2048 : i32
      %mul3A_167 = vector.broadcast %mul3A_166 : i32 to vector<16xi32>
      %mul3A_168 = arith.muli %sub3A_165, %mul3A_167 : vector<16xi32>
      %sub3A_169 = arith.constant 1 : i32
      %sub3A_170 = vector.broadcast %sub3A_169 : i32 to vector<16xi32>
      %sub3A_171 = arith.subi %sub3A_144, %sub3A_170 : vector<16xi32>
      %max3A_172 = arith.constant 0 : i32
      %max3A_173 = vector.broadcast %max3A_172 : i32 to vector<16xi32>
      %max3A_174 = arith.maxsi %sub3A_171, %max3A_173 : vector<16xi32>
      %add3A_175 = arith.addi %mul3A_168, %max3A_174 : vector<16xi32>
      %gather3A_176 = tpu.vector_load_idx %arg9[%add3A_175] : memref<4096xi32, #tpu.memory_space<vmem>>[vector<16xi32>], vector<16xi32>,
      %eq3A_177 = arith.constant 0 : i32
      %eq3A_178 = vector.broadcast %eq3A_177 : i32 to vector<16xi32>
      %eq3A_179 = arith.cmpi eq, %sub3A_144, %eq3A_178 : vector<16xi32>
      %lt3A_180 = arith.constant 1024 : i32
      %lt3A_181 = vector.broadcast %lt3A_180 : i32 to vector<16xi32>
      %lt3A_182 = arith.cmpi slt, %gather3A_176, %lt3A_181 : vector<16xi32>
      %add3A_183 = arith.constant 1 : i32
      %add3A_184 = vector.broadcast %add3A_183 : i32 to vector<16xi32>
      %add3A_185 = arith.addi %select_n3A_163, %add3A_184 : vector<16xi32>
      %add3A_186 = arith.addi %add3A_185, %gather3A_176 : vector<16xi32>
      %jit3A_187 = arith.constant 106528 : i32
      %broadcast_in_dim3A_188 = vector.broadcast %jit3A_187 : i32 to vector<16xi32>
      %select_n3A_189 = arith.select %lt3A_182, %add3A_186, %broadcast_in_dim3A_188 : vector<16xi1>, vector<16xi32>
      %select_n3A_190 = arith.select %eq3A_179, %select_n3A_163, %select_n3A_189 : vector<16xi1>, vector<16xi32>
      %swap3A_191 = arith.index_cast %scan3A_71 : i32 to index
      %swap3A_192 = arith.constant 16 : index
      %swap3A_193 = tpu.vector_load %arg10[%swap3A_191, %swap3A_192] {strides = array<i32>} : memref<16x128xi32, #tpu.memory_space<vmem>>, vector<16xi32>,
      tpu.vector_store %arg10[%swap3A_191, %swap3A_192], %select_n3A_190 {strides = array<i32>} : memref<16x128xi32, #tpu.memory_space<vmem>>, vector<16xi32>,
      %mul3A_194 = arith.constant 128 : i32
      %mul3A_195 = arith.muli %scan3A_71, %mul3A_194 : i32
      %add3A_196 = arith.addi %mul3A_15, %mul3A_195 : i32
      %add3A_197 = arith.constant 32 : i32
      %add3A_198 = arith.addi %add3A_196, %add3A_197 : i32
      %add3A_199 = vector.broadcast %add3A_198 : i32 to vector<16xi32>
      %add3A_200 = arith.addi %add3A_199, %iota3A : vector<16xi32>
      %div3A_201 = arith.constant 2049 : i32
      %div3A_202 = vector.broadcast %div3A_201 : i32 to vector<16xi32>
      %div3A_203 = arith.divsi %add3A_200, %div3A_202 : vector<16xi32>
      %mul3A_204 = arith.constant 2049 : i32
      %mul3A_205 = vector.broadcast %mul3A_204 : i32 to vector<16xi32>
      %mul3A_206 = arith.muli %div3A_203, %mul3A_205 : vector<16xi32>
      %sub3A_207 = arith.subi %add3A_200, %mul3A_206 : vector<16xi32>
      %lt3A_208 = arith.constant 16 : i32
      %lt3A_209 = vector.broadcast %lt3A_208 : i32 to vector<16xi32>
      %lt3A_210 = arith.cmpi slt, %div3A_203, %lt3A_209 : vector<16xi32>
      %mul3A_211 = arith.constant 1025 : i32
      %mul3A_212 = vector.broadcast %mul3A_211 : i32 to vector<16xi32>
      %mul3A_213 = arith.muli %div3A_203, %mul3A_212 : vector<16xi32>
      %add3A_214 = arith.constant 73728 : i32
      %add3A_215 = vector.broadcast %add3A_214 : i32 to vector<16xi32>
      %add3A_216 = arith.addi %add3A_215, %mul3A_213 : vector<16xi32>
      %sub3A_217 = arith.constant 16 : i32
      %sub3A_218 = vector.broadcast %sub3A_217 : i32 to vector<16xi32>
      %sub3A_219 = arith.subi %div3A_203, %sub3A_218 : vector<16xi32>
      %mul3A_220 = arith.constant 1025 : i32
      %mul3A_221 = vector.broadcast %mul3A_220 : i32 to vector<16xi32>
      %mul3A_222 = arith.muli %sub3A_219, %mul3A_221 : vector<16xi32>
      %add3A_223 = arith.constant 90128 : i32
      %add3A_224 = vector.broadcast %add3A_223 : i32 to vector<16xi32>
      %add3A_225 = arith.addi %add3A_224, %mul3A_222 : vector<16xi32>
      %select_n3A_226 = arith.select %lt3A_210, %add3A_216, %add3A_225 : vector<16xi1>, vector<16xi32>
      %sub3A_227 = vector.broadcast %select_n3A : i32 to vector<16xi32>
      %sub3A_228 = arith.subi %div3A_203, %sub3A_227 : vector<16xi32>
      %mul3A_229 = arith.constant 2048 : i32
      %mul3A_230 = vector.broadcast %mul3A_229 : i32 to vector<16xi32>
      %mul3A_231 = arith.muli %sub3A_228, %mul3A_230 : vector<16xi32>
      %sub3A_232 = arith.constant 1 : i32
      %sub3A_233 = vector.broadcast %sub3A_232 : i32 to vector<16xi32>
      %sub3A_234 = arith.subi %sub3A_207, %sub3A_233 : vector<16xi32>
      %max3A_235 = arith.constant 0 : i32
      %max3A_236 = vector.broadcast %max3A_235 : i32 to vector<16xi32>
      %max3A_237 = arith.maxsi %sub3A_234, %max3A_236 : vector<16xi32>
      %add3A_238 = arith.addi %mul3A_231, %max3A_237 : vector<16xi32>
      %gather3A_239 = tpu.vector_load_idx %arg9[%add3A_238] : memref<4096xi32, #tpu.memory_space<vmem>>[vector<16xi32>], vector<16xi32>,
      %eq3A_240 = arith.constant 0 : i32
      %eq3A_241 = vector.broadcast %eq3A_240 : i32 to vector<16xi32>
      %eq3A_242 = arith.cmpi eq, %sub3A_207, %eq3A_241 : vector<16xi32>
      %lt3A_243 = arith.constant 1024 : i32
      %lt3A_244 = vector.broadcast %lt3A_243 : i32 to vector<16xi32>
      %lt3A_245 = arith.cmpi slt, %gather3A_239, %lt3A_244 : vector<16xi32>
      %add3A_246 = arith.constant 1 : i32
      %add3A_247 = vector.broadcast %add3A_246 : i32 to vector<16xi32>
      %add3A_248 = arith.addi %select_n3A_226, %add3A_247 : vector<16xi32>
      %add3A_249 = arith.addi %add3A_248, %gather3A_239 : vector<16xi32>
      %jit3A_250 = arith.constant 106528 : i32
      %broadcast_in_dim3A_251 = vector.broadcast %jit3A_250 : i32 to vector<16xi32>
      %select_n3A_252 = arith.select %lt3A_245, %add3A_249, %broadcast_in_dim3A_251 : vector<16xi1>, vector<16xi32>
      %select_n3A_253 = arith.select %eq3A_242, %select_n3A_226, %select_n3A_252 : vector<16xi1>, vector<16xi32>
      %swap3A_254 = arith.index_cast %scan3A_71 : i32 to index
      %swap3A_255 = arith.constant 32 : index
      %swap3A_256 = tpu.vector_load %arg10[%swap3A_254, %swap3A_255] {strides = array<i32>} : memref<16x128xi32, #tpu.memory_space<vmem>>, vector<16xi32>,
      tpu.vector_store %arg10[%swap3A_254, %swap3A_255], %select_n3A_253 {strides = array<i32>} : memref<16x128xi32, #tpu.memory_space<vmem>>, vector<16xi32>,
      %mul3A_257 = arith.constant 128 : i32
      %mul3A_258 = arith.muli %scan3A_71, %mul3A_257 : i32
      %add3A_259 = arith.addi %mul3A_15, %mul3A_258 : i32
      %add3A_260 = arith.constant 48 : i32
      %add3A_261 = arith.addi %add3A_259, %add3A_260 : i32
      %add3A_262 = vector.broadcast %add3A_261 : i32 to vector<16xi32>
      %add3A_263 = arith.addi %add3A_262, %iota3A : vector<16xi32>
      %div3A_264 = arith.constant 2049 : i32
      %div3A_265 = vector.broadcast %div3A_264 : i32 to vector<16xi32>
      %div3A_266 = arith.divsi %add3A_263, %div3A_265 : vector<16xi32>
      %mul3A_267 = arith.constant 2049 : i32
      %mul3A_268 = vector.broadcast %mul3A_267 : i32 to vector<16xi32>
      %mul3A_269 = arith.muli %div3A_266, %mul3A_268 : vector<16xi32>
      %sub3A_270 = arith.subi %add3A_263, %mul3A_269 : vector<16xi32>
      %lt3A_271 = arith.constant 16 : i32
      %lt3A_272 = vector.broadcast %lt3A_271 : i32 to vector<16xi32>
      %lt3A_273 = arith.cmpi slt, %div3A_266, %lt3A_272 : vector<16xi32>
      %mul3A_274 = arith.constant 1025 : i32
      %mul3A_275 = vector.broadcast %mul3A_274 : i32 to vector<16xi32>
      %mul3A_276 = arith.muli %div3A_266, %mul3A_275 : vector<16xi32>
      %add3A_277 = arith.constant 73728 : i32
      %add3A_278 = vector.broadcast %add3A_277 : i32 to vector<16xi32>
      %add3A_279 = arith.addi %add3A_278, %mul3A_276 : vector<16xi32>
      %sub3A_280 = arith.constant 16 : i32
      %sub3A_281 = vector.broadcast %sub3A_280 : i32 to vector<16xi32>
      %sub3A_282 = arith.subi %div3A_266, %sub3A_281 : vector<16xi32>
      %mul3A_283 = arith.constant 1025 : i32
      %mul3A_284 = vector.broadcast %mul3A_283 : i32 to vector<16xi32>
      %mul3A_285 = arith.muli %sub3A_282, %mul3A_284 : vector<16xi32>
      %add3A_286 = arith.constant 90128 : i32
      %add3A_287 = vector.broadcast %add3A_286 : i32 to vector<16xi32>
      %add3A_288 = arith.addi %add3A_287, %mul3A_285 : vector<16xi32>
      %select_n3A_289 = arith.select %lt3A_273, %add3A_279, %add3A_288 : vector<16xi1>, vector<16xi32>
      %sub3A_290 = vector.broadcast %select_n3A : i32 to vector<16xi32>
      %sub3A_291 = arith.subi %div3A_266, %sub3A_290 : vector<16xi32>
      %mul3A_292 = arith.constant 2048 : i32
      %mul3A_293 = vector.broadcast %mul3A_292 : i32 to vector<16xi32>
      %mul3A_294 = arith.muli %sub3A_291, %mul3A_293 : vector<16xi32>
      %sub3A_295 = arith.constant 1 : i32
      %sub3A_296 = vector.broadcast %sub3A_295 : i32 to vector<16xi32>
      %sub3A_297 = arith.subi %sub3A_270, %sub3A_296 : vector<16xi32>
      %max3A_298 = arith.constant 0 : i32
      %max3A_299 = vector.broadcast %max3A_298 : i32 to vector<16xi32>
      %max3A_300 = arith.maxsi %sub3A_297, %max3A_299 : vector<16xi32>
      %add3A_301 = arith.addi %mul3A_294, %max3A_300 : vector<16xi32>
      %gather3A_302 = tpu.vector_load_idx %arg9[%add3A_301] : memref<4096xi32, #tpu.memory_space<vmem>>[vector<16xi32>], vector<16xi32>,
      %eq3A_303 = arith.constant 0 : i32
      %eq3A_304 = vector.broadcast %eq3A_303 : i32 to vector<16xi32>
      %eq3A_305 = arith.cmpi eq, %sub3A_270, %eq3A_304 : vector<16xi32>
      %lt3A_306 = arith.constant 1024 : i32
      %lt3A_307 = vector.broadcast %lt3A_306 : i32 to vector<16xi32>
      %lt3A_308 = arith.cmpi slt, %gather3A_302, %lt3A_307 : vector<16xi32>
      %add3A_309 = arith.constant 1 : i32
      %add3A_310 = vector.broadcast %add3A_309 : i32 to vector<16xi32>
      %add3A_311 = arith.addi %select_n3A_289, %add3A_310 : vector<16xi32>
      %add3A_312 = arith.addi %add3A_311, %gather3A_302 : vector<16xi32>
      %jit3A_313 = arith.constant 106528 : i32
      %broadcast_in_dim3A_314 = vector.broadcast %jit3A_313 : i32 to vector<16xi32>
      %select_n3A_315 = arith.select %lt3A_308, %add3A_312, %broadcast_in_dim3A_314 : vector<16xi1>, vector<16xi32>
      %select_n3A_316 = arith.select %eq3A_305, %select_n3A_289, %select_n3A_315 : vector<16xi1>, vector<16xi32>
      %swap3A_317 = arith.index_cast %scan3A_71 : i32 to index
      %swap3A_318 = arith.constant 48 : index
      %swap3A_319 = tpu.vector_load %arg10[%swap3A_317, %swap3A_318] {strides = array<i32>} : memref<16x128xi32, #tpu.memory_space<vmem>>, vector<16xi32>,
      tpu.vector_store %arg10[%swap3A_317, %swap3A_318], %select_n3A_316 {strides = array<i32>} : memref<16x128xi32, #tpu.memory_space<vmem>>, vector<16xi32>,
      %mul3A_320 = arith.constant 128 : i32
      %mul3A_321 = arith.muli %scan3A_71, %mul3A_320 : i32
      %add3A_322 = arith.addi %mul3A_15, %mul3A_321 : i32
      %add3A_323 = arith.constant 64 : i32
      %add3A_324 = arith.addi %add3A_322, %add3A_323 : i32
      %add3A_325 = vector.broadcast %add3A_324 : i32 to vector<16xi32>
      %add3A_326 = arith.addi %add3A_325, %iota3A : vector<16xi32>
      %div3A_327 = arith.constant 2049 : i32
      %div3A_328 = vector.broadcast %div3A_327 : i32 to vector<16xi32>
      %div3A_329 = arith.divsi %add3A_326, %div3A_328 : vector<16xi32>
      %mul3A_330 = arith.constant 2049 : i32
      %mul3A_331 = vector.broadcast %mul3A_330 : i32 to vector<16xi32>
      %mul3A_332 = arith.muli %div3A_329, %mul3A_331 : vector<16xi32>
      %sub3A_333 = arith.subi %add3A_326, %mul3A_332 : vector<16xi32>
      %lt3A_334 = arith.constant 16 : i32
      %lt3A_335 = vector.broadcast %lt3A_334 : i32 to vector<16xi32>
      %lt3A_336 = arith.cmpi slt, %div3A_329, %lt3A_335 : vector<16xi32>
      %mul3A_337 = arith.constant 1025 : i32
      %mul3A_338 = vector.broadcast %mul3A_337 : i32 to vector<16xi32>
      %mul3A_339 = arith.muli %div3A_329, %mul3A_338 : vector<16xi32>
      %add3A_340 = arith.constant 73728 : i32
      %add3A_341 = vector.broadcast %add3A_340 : i32 to vector<16xi32>
      %add3A_342 = arith.addi %add3A_341, %mul3A_339 : vector<16xi32>
      %sub3A_343 = arith.constant 16 : i32
      %sub3A_344 = vector.broadcast %sub3A_343 : i32 to vector<16xi32>
      %sub3A_345 = arith.subi %div3A_329, %sub3A_344 : vector<16xi32>
      %mul3A_346 = arith.constant 1025 : i32
      %mul3A_347 = vector.broadcast %mul3A_346 : i32 to vector<16xi32>
      %mul3A_348 = arith.muli %sub3A_345, %mul3A_347 : vector<16xi32>
      %add3A_349 = arith.constant 90128 : i32
      %add3A_350 = vector.broadcast %add3A_349 : i32 to vector<16xi32>
      %add3A_351 = arith.addi %add3A_350, %mul3A_348 : vector<16xi32>
      %select_n3A_352 = arith.select %lt3A_336, %add3A_342, %add3A_351 : vector<16xi1>, vector<16xi32>
      %sub3A_353 = vector.broadcast %select_n3A : i32 to vector<16xi32>
      %sub3A_354 = arith.subi %div3A_329, %sub3A_353 : vector<16xi32>
      %mul3A_355 = arith.constant 2048 : i32
      %mul3A_356 = vector.broadcast %mul3A_355 : i32 to vector<16xi32>
      %mul3A_357 = arith.muli %sub3A_354, %mul3A_356 : vector<16xi32>
      %sub3A_358 = arith.constant 1 : i32
      %sub3A_359 = vector.broadcast %sub3A_358 : i32 to vector<16xi32>
      %sub3A_360 = arith.subi %sub3A_333, %sub3A_359 : vector<16xi32>
      %max3A_361 = arith.constant 0 : i32
      %max3A_362 = vector.broadcast %max3A_361 : i32 to vector<16xi32>
      %max3A_363 = arith.maxsi %sub3A_360, %max3A_362 : vector<16xi32>
      %add3A_364 = arith.addi %mul3A_357, %max3A_363 : vector<16xi32>
      %gather3A_365 = tpu.vector_load_idx %arg9[%add3A_364] : memref<4096xi32, #tpu.memory_space<vmem>>[vector<16xi32>], vector<16xi32>,
      %eq3A_366 = arith.constant 0 : i32
      %eq3A_367 = vector.broadcast %eq3A_366 : i32 to vector<16xi32>
      %eq3A_368 = arith.cmpi eq, %sub3A_333, %eq3A_367 : vector<16xi32>
      %lt3A_369 = arith.constant 1024 : i32
      %lt3A_370 = vector.broadcast %lt3A_369 : i32 to vector<16xi32>
      %lt3A_371 = arith.cmpi slt, %gather3A_365, %lt3A_370 : vector<16xi32>
      %add3A_372 = arith.constant 1 : i32
      %add3A_373 = vector.broadcast %add3A_372 : i32 to vector<16xi32>
      %add3A_374 = arith.addi %select_n3A_352, %add3A_373 : vector<16xi32>
      %add3A_375 = arith.addi %add3A_374, %gather3A_365 : vector<16xi32>
      %jit3A_376 = arith.constant 106528 : i32
      %broadcast_in_dim3A_377 = vector.broadcast %jit3A_376 : i32 to vector<16xi32>
      %select_n3A_378 = arith.select %lt3A_371, %add3A_375, %broadcast_in_dim3A_377 : vector<16xi1>, vector<16xi32>
      %select_n3A_379 = arith.select %eq3A_368, %select_n3A_352, %select_n3A_378 : vector<16xi1>, vector<16xi32>
      %swap3A_380 = arith.index_cast %scan3A_71 : i32 to index
      %swap3A_381 = arith.constant 64 : index
      %swap3A_382 = tpu.vector_load %arg10[%swap3A_380, %swap3A_381] {strides = array<i32>} : memref<16x128xi32, #tpu.memory_space<vmem>>, vector<16xi32>,
      tpu.vector_store %arg10[%swap3A_380, %swap3A_381], %select_n3A_379 {strides = array<i32>} : memref<16x128xi32, #tpu.memory_space<vmem>>, vector<16xi32>,
      %mul3A_383 = arith.constant 128 : i32
      %mul3A_384 = arith.muli %scan3A_71, %mul3A_383 : i32
      %add3A_385 = arith.addi %mul3A_15, %mul3A_384 : i32
      %add3A_386 = arith.constant 80 : i32
      %add3A_387 = arith.addi %add3A_385, %add3A_386 : i32
      %add3A_388 = vector.broadcast %add3A_387 : i32 to vector<16xi32>
      %add3A_389 = arith.addi %add3A_388, %iota3A : vector<16xi32>
      %div3A_390 = arith.constant 2049 : i32
      %div3A_391 = vector.broadcast %div3A_390 : i32 to vector<16xi32>
      %div3A_392 = arith.divsi %add3A_389, %div3A_391 : vector<16xi32>
      %mul3A_393 = arith.constant 2049 : i32
      %mul3A_394 = vector.broadcast %mul3A_393 : i32 to vector<16xi32>
      %mul3A_395 = arith.muli %div3A_392, %mul3A_394 : vector<16xi32>
      %sub3A_396 = arith.subi %add3A_389, %mul3A_395 : vector<16xi32>
      %lt3A_397 = arith.constant 16 : i32
      %lt3A_398 = vector.broadcast %lt3A_397 : i32 to vector<16xi32>
      %lt3A_399 = arith.cmpi slt, %div3A_392, %lt3A_398 : vector<16xi32>
      %mul3A_400 = arith.constant 1025 : i32
      %mul3A_401 = vector.broadcast %mul3A_400 : i32 to vector<16xi32>
      %mul3A_402 = arith.muli %div3A_392, %mul3A_401 : vector<16xi32>
      %add3A_403 = arith.constant 73728 : i32
      %add3A_404 = vector.broadcast %add3A_403 : i32 to vector<16xi32>
      %add3A_405 = arith.addi %add3A_404, %mul3A_402 : vector<16xi32>
      %sub3A_406 = arith.constant 16 : i32
      %sub3A_407 = vector.broadcast %sub3A_406 : i32 to vector<16xi32>
      %sub3A_408 = arith.subi %div3A_392, %sub3A_407 : vector<16xi32>
      %mul3A_409 = arith.constant 1025 : i32
      %mul3A_410 = vector.broadcast %mul3A_409 : i32 to vector<16xi32>
      %mul3A_411 = arith.muli %sub3A_408, %mul3A_410 : vector<16xi32>
      %add3A_412 = arith.constant 90128 : i32
      %add3A_413 = vector.broadcast %add3A_412 : i32 to vector<16xi32>
      %add3A_414 = arith.addi %add3A_413, %mul3A_411 : vector<16xi32>
      %select_n3A_415 = arith.select %lt3A_399, %add3A_405, %add3A_414 : vector<16xi1>, vector<16xi32>
      %sub3A_416 = vector.broadcast %select_n3A : i32 to vector<16xi32>
      %sub3A_417 = arith.subi %div3A_392, %sub3A_416 : vector<16xi32>
      %mul3A_418 = arith.constant 2048 : i32
      %mul3A_419 = vector.broadcast %mul3A_418 : i32 to vector<16xi32>
      %mul3A_420 = arith.muli %sub3A_417, %mul3A_419 : vector<16xi32>
      %sub3A_421 = arith.constant 1 : i32
      %sub3A_422 = vector.broadcast %sub3A_421 : i32 to vector<16xi32>
      %sub3A_423 = arith.subi %sub3A_396, %sub3A_422 : vector<16xi32>
      %max3A_424 = arith.constant 0 : i32
      %max3A_425 = vector.broadcast %max3A_424 : i32 to vector<16xi32>
      %max3A_426 = arith.maxsi %sub3A_423, %max3A_425 : vector<16xi32>
      %add3A_427 = arith.addi %mul3A_420, %max3A_426 : vector<16xi32>
      %gather3A_428 = tpu.vector_load_idx %arg9[%add3A_427] : memref<4096xi32, #tpu.memory_space<vmem>>[vector<16xi32>], vector<16xi32>,
      %eq3A_429 = arith.constant 0 : i32
      %eq3A_430 = vector.broadcast %eq3A_429 : i32 to vector<16xi32>
      %eq3A_431 = arith.cmpi eq, %sub3A_396, %eq3A_430 : vector<16xi32>
      %lt3A_432 = arith.constant 1024 : i32
      %lt3A_433 = vector.broadcast %lt3A_432 : i32 to vector<16xi32>
      %lt3A_434 = arith.cmpi slt, %gather3A_428, %lt3A_433 : vector<16xi32>
      %add3A_435 = arith.constant 1 : i32
      %add3A_436 = vector.broadcast %add3A_435 : i32 to vector<16xi32>
      %add3A_437 = arith.addi %select_n3A_415, %add3A_436 : vector<16xi32>
      %add3A_438 = arith.addi %add3A_437, %gather3A_428 : vector<16xi32>
      %jit3A_439 = arith.constant 106528 : i32
      %broadcast_in_dim3A_440 = vector.broadcast %jit3A_439 : i32 to vector<16xi32>
      %select_n3A_441 = arith.select %lt3A_434, %add3A_438, %broadcast_in_dim3A_440 : vector<16xi1>, vector<16xi32>
      %select_n3A_442 = arith.select %eq3A_431, %select_n3A_415, %select_n3A_441 : vector<16xi1>, vector<16xi32>
      %swap3A_443 = arith.index_cast %scan3A_71 : i32 to index
      %swap3A_444 = arith.constant 80 : index
      %swap3A_445 = tpu.vector_load %arg10[%swap3A_443, %swap3A_444] {strides = array<i32>} : memref<16x128xi32, #tpu.memory_space<vmem>>, vector<16xi32>,
      tpu.vector_store %arg10[%swap3A_443, %swap3A_444], %select_n3A_442 {strides = array<i32>} : memref<16x128xi32, #tpu.memory_space<vmem>>, vector<16xi32>,
      %mul3A_446 = arith.constant 128 : i32
      %mul3A_447 = arith.muli %scan3A_71, %mul3A_446 : i32
      %add3A_448 = arith.addi %mul3A_15, %mul3A_447 : i32
      %add3A_449 = arith.constant 96 : i32
      %add3A_450 = arith.addi %add3A_448, %add3A_449 : i32
      %add3A_451 = vector.broadcast %add3A_450 : i32 to vector<16xi32>
      %add3A_452 = arith.addi %add3A_451, %iota3A : vector<16xi32>
      %div3A_453 = arith.constant 2049 : i32
      %div3A_454 = vector.broadcast %div3A_453 : i32 to vector<16xi32>
      %div3A_455 = arith.divsi %add3A_452, %div3A_454 : vector<16xi32>
      %mul3A_456 = arith.constant 2049 : i32
      %mul3A_457 = vector.broadcast %mul3A_456 : i32 to vector<16xi32>
      %mul3A_458 = arith.muli %div3A_455, %mul3A_457 : vector<16xi32>
      %sub3A_459 = arith.subi %add3A_452, %mul3A_458 : vector<16xi32>
      %lt3A_460 = arith.constant 16 : i32
      %lt3A_461 = vector.broadcast %lt3A_460 : i32 to vector<16xi32>
      %lt3A_462 = arith.cmpi slt, %div3A_455, %lt3A_461 : vector<16xi32>
      %mul3A_463 = arith.constant 1025 : i32
      %mul3A_464 = vector.broadcast %mul3A_463 : i32 to vector<16xi32>
      %mul3A_465 = arith.muli %div3A_455, %mul3A_464 : vector<16xi32>
      %add3A_466 = arith.constant 73728 : i32
      %add3A_467 = vector.broadcast %add3A_466 : i32 to vector<16xi32>
      %add3A_468 = arith.addi %add3A_467, %mul3A_465 : vector<16xi32>
      %sub3A_469 = arith.constant 16 : i32
      %sub3A_470 = vector.broadcast %sub3A_469 : i32 to vector<16xi32>
      %sub3A_471 = arith.subi %div3A_455, %sub3A_470 : vector<16xi32>
      %mul3A_472 = arith.constant 1025 : i32
      %mul3A_473 = vector.broadcast %mul3A_472 : i32 to vector<16xi32>
      %mul3A_474 = arith.muli %sub3A_471, %mul3A_473 : vector<16xi32>
      %add3A_475 = arith.constant 90128 : i32
      %add3A_476 = vector.broadcast %add3A_475 : i32 to vector<16xi32>
      %add3A_477 = arith.addi %add3A_476, %mul3A_474 : vector<16xi32>
      %select_n3A_478 = arith.select %lt3A_462, %add3A_468, %add3A_477 : vector<16xi1>, vector<16xi32>
      %sub3A_479 = vector.broadcast %select_n3A : i32 to vector<16xi32>
      %sub3A_480 = arith.subi %div3A_455, %sub3A_479 : vector<16xi32>
      %mul3A_481 = arith.constant 2048 : i32
      %mul3A_482 = vector.broadcast %mul3A_481 : i32 to vector<16xi32>
      %mul3A_483 = arith.muli %sub3A_480, %mul3A_482 : vector<16xi32>
      %sub3A_484 = arith.constant 1 : i32
      %sub3A_485 = vector.broadcast %sub3A_484 : i32 to vector<16xi32>
      %sub3A_486 = arith.subi %sub3A_459, %sub3A_485 : vector<16xi32>
      %max3A_487 = arith.constant 0 : i32
      %max3A_488 = vector.broadcast %max3A_487 : i32 to vector<16xi32>
      %max3A_489 = arith.maxsi %sub3A_486, %max3A_488 : vector<16xi32>
      %add3A_490 = arith.addi %mul3A_483, %max3A_489 : vector<16xi32>
      %gather3A_491 = tpu.vector_load_idx %arg9[%add3A_490] : memref<4096xi32, #tpu.memory_space<vmem>>[vector<16xi32>], vector<16xi32>,
      %eq3A_492 = arith.constant 0 : i32
      %eq3A_493 = vector.broadcast %eq3A_492 : i32 to vector<16xi32>
      %eq3A_494 = arith.cmpi eq, %sub3A_459, %eq3A_493 : vector<16xi32>
      %lt3A_495 = arith.constant 1024 : i32
      %lt3A_496 = vector.broadcast %lt3A_495 : i32 to vector<16xi32>
      %lt3A_497 = arith.cmpi slt, %gather3A_491, %lt3A_496 : vector<16xi32>
      %add3A_498 = arith.constant 1 : i32
      %add3A_499 = vector.broadcast %add3A_498 : i32 to vector<16xi32>
      %add3A_500 = arith.addi %select_n3A_478, %add3A_499 : vector<16xi32>
      %add3A_501 = arith.addi %add3A_500, %gather3A_491 : vector<16xi32>
      %jit3A_502 = arith.constant 106528 : i32
      %broadcast_in_dim3A_503 = vector.broadcast %jit3A_502 : i32 to vector<16xi32>
      %select_n3A_504 = arith.select %lt3A_497, %add3A_501, %broadcast_in_dim3A_503 : vector<16xi1>, vector<16xi32>
      %select_n3A_505 = arith.select %eq3A_494, %select_n3A_478, %select_n3A_504 : vector<16xi1>, vector<16xi32>
      %swap3A_506 = arith.index_cast %scan3A_71 : i32 to index
      %swap3A_507 = arith.constant 96 : index
      %swap3A_508 = tpu.vector_load %arg10[%swap3A_506, %swap3A_507] {strides = array<i32>} : memref<16x128xi32, #tpu.memory_space<vmem>>, vector<16xi32>,
      tpu.vector_store %arg10[%swap3A_506, %swap3A_507], %select_n3A_505 {strides = array<i32>} : memref<16x128xi32, #tpu.memory_space<vmem>>, vector<16xi32>,
      %mul3A_509 = arith.constant 128 : i32
      %mul3A_510 = arith.muli %scan3A_71, %mul3A_509 : i32
      %add3A_511 = arith.addi %mul3A_15, %mul3A_510 : i32
      %add3A_512 = arith.constant 112 : i32
      %add3A_513 = arith.addi %add3A_511, %add3A_512 : i32
      %add3A_514 = vector.broadcast %add3A_513 : i32 to vector<16xi32>
      %add3A_515 = arith.addi %add3A_514, %iota3A : vector<16xi32>
      %div3A_516 = arith.constant 2049 : i32
      %div3A_517 = vector.broadcast %div3A_516 : i32 to vector<16xi32>
      %div3A_518 = arith.divsi %add3A_515, %div3A_517 : vector<16xi32>
      %mul3A_519 = arith.constant 2049 : i32
      %mul3A_520 = vector.broadcast %mul3A_519 : i32 to vector<16xi32>
      %mul3A_521 = arith.muli %div3A_518, %mul3A_520 : vector<16xi32>
      %sub3A_522 = arith.subi %add3A_515, %mul3A_521 : vector<16xi32>
      %lt3A_523 = arith.constant 16 : i32
      %lt3A_524 = vector.broadcast %lt3A_523 : i32 to vector<16xi32>
      %lt3A_525 = arith.cmpi slt, %div3A_518, %lt3A_524 : vector<16xi32>
      %mul3A_526 = arith.constant 1025 : i32
      %mul3A_527 = vector.broadcast %mul3A_526 : i32 to vector<16xi32>
      %mul3A_528 = arith.muli %div3A_518, %mul3A_527 : vector<16xi32>
      %add3A_529 = arith.constant 73728 : i32
      %add3A_530 = vector.broadcast %add3A_529 : i32 to vector<16xi32>
      %add3A_531 = arith.addi %add3A_530, %mul3A_528 : vector<16xi32>
      %sub3A_532 = arith.constant 16 : i32
      %sub3A_533 = vector.broadcast %sub3A_532 : i32 to vector<16xi32>
      %sub3A_534 = arith.subi %div3A_518, %sub3A_533 : vector<16xi32>
      %mul3A_535 = arith.constant 1025 : i32
      %mul3A_536 = vector.broadcast %mul3A_535 : i32 to vector<16xi32>
      %mul3A_537 = arith.muli %sub3A_534, %mul3A_536 : vector<16xi32>
      %add3A_538 = arith.constant 90128 : i32
      %add3A_539 = vector.broadcast %add3A_538 : i32 to vector<16xi32>
      %add3A_540 = arith.addi %add3A_539, %mul3A_537 : vector<16xi32>
      %select_n3A_541 = arith.select %lt3A_525, %add3A_531, %add3A_540 : vector<16xi1>, vector<16xi32>
      %sub3A_542 = vector.broadcast %select_n3A : i32 to vector<16xi32>
      %sub3A_543 = arith.subi %div3A_518, %sub3A_542 : vector<16xi32>
      %mul3A_544 = arith.constant 2048 : i32
      %mul3A_545 = vector.broadcast %mul3A_544 : i32 to vector<16xi32>
      %mul3A_546 = arith.muli %sub3A_543, %mul3A_545 : vector<16xi32>
      %sub3A_547 = arith.constant 1 : i32
      %sub3A_548 = vector.broadcast %sub3A_547 : i32 to vector<16xi32>
      %sub3A_549 = arith.subi %sub3A_522, %sub3A_548 : vector<16xi32>
      %max3A_550 = arith.constant 0 : i32
      %max3A_551 = vector.broadcast %max3A_550 : i32 to vector<16xi32>
      %max3A_552 = arith.maxsi %sub3A_549, %max3A_551 : vector<16xi32>
      %add3A_553 = arith.addi %mul3A_546, %max3A_552 : vector<16xi32>
      %gather3A_554 = tpu.vector_load_idx %arg9[%add3A_553] : memref<4096xi32, #tpu.memory_space<vmem>>[vector<16xi32>], vector<16xi32>,
      %eq3A_555 = arith.constant 0 : i32
      %eq3A_556 = vector.broadcast %eq3A_555 : i32 to vector<16xi32>
      %eq3A_557 = arith.cmpi eq, %sub3A_522, %eq3A_556 : vector<16xi32>
      %lt3A_558 = arith.constant 1024 : i32
      %lt3A_559 = vector.broadcast %lt3A_558 : i32 to vector<16xi32>
      %lt3A_560 = arith.cmpi slt, %gather3A_554, %lt3A_559 : vector<16xi32>
      %add3A_561 = arith.constant 1 : i32
      %add3A_562 = vector.broadcast %add3A_561 : i32 to vector<16xi32>
      %add3A_563 = arith.addi %select_n3A_541, %add3A_562 : vector<16xi32>
      %add3A_564 = arith.addi %add3A_563, %gather3A_554 : vector<16xi32>
      %jit3A_565 = arith.constant 106528 : i32
      %broadcast_in_dim3A_566 = vector.broadcast %jit3A_565 : i32 to vector<16xi32>
      %select_n3A_567 = arith.select %lt3A_560, %add3A_564, %broadcast_in_dim3A_566 : vector<16xi1>, vector<16xi32>
      %select_n3A_568 = arith.select %eq3A_557, %select_n3A_541, %select_n3A_567 : vector<16xi1>, vector<16xi32>
      %swap3A_569 = arith.index_cast %scan3A_71 : i32 to index
      %swap3A_570 = arith.constant 112 : index
      %swap3A_571 = tpu.vector_load %arg10[%swap3A_569, %swap3A_570] {strides = array<i32>} : memref<16x128xi32, #tpu.memory_space<vmem>>, vector<16xi32>,
      tpu.vector_store %arg10[%swap3A_569, %swap3A_570], %select_n3A_568 {strides = array<i32>} : memref<16x128xi32, #tpu.memory_space<vmem>>, vector<16xi32>,
    }
    %scan3A_60 = arith.constant 16 : i32
    %scan3A_61 = arith.constant 0 : i32
    %scan3A_62 = arith.constant 0 : i32
    %scan3A_63 = arith.constant 16 : i32
    %scan3A_64 = arith.addi %scan3A_62, %scan3A_63 : i32
    %scan3A_65 = arith.constant 1 : i32
    scf.for %scan3A_71 = %scan3A_62 to %scan3A_64 step %scan3A_65  : i32 {
      %dma_start3A = arith.constant 0 : i32
      %dma_start3A_72 = tpu.memref_slice %arg10[%scan3A_71, %dma_start3A] : memref<16x128xi32, #tpu.memory_space<vmem>> -> memref<1x128xi32, #tpu.memory_space<vmem>>
      %dma_start3A_73 = tpu.memref_squeeze %dma_start3A_72 : memref<1x128xi32, #tpu.memory_space<vmem>> -> memref<128xi32, #tpu.memory_space<vmem>>
      %dma_start3A_74 = arith.constant 0 : i32
      %dma_start3A_75 = arith.constant 0 : i32
      %dma_start3A_76 = tpu.memref_slice %arg2[%dma_start3A_74, %dma_start3A_75] : memref<106529x128xf32, #tpu.memory_space<hbm>> -> memref<106529x128xf32, #tpu.memory_space<hbm>>
      tpu.enqueue_indirect_dma source(%dma_start3A_76 : memref<106529x128xf32, #tpu.memory_space<hbm>>) target(%arg12 : memref<128x128xf32, #tpu.memory_space<vmem>>) offsets(%dma_start3A_73 : memref<128xi32, #tpu.memory_space<vmem>>) semaphore(%arg13 : memref<!tpu.dma_semaphore, #tpu.memory_space<semaphore_mem>>)
      %dma_wait3A = arith.constant 0 : i32
      %dma_wait3A_77 = tpu.memref_slice %arg10[%scan3A_71, %dma_wait3A] : memref<16x128xi32, #tpu.memory_space<vmem>> -> memref<1x128xi32, #tpu.memory_space<vmem>>
      %dma_wait3A_78 = tpu.memref_squeeze %dma_wait3A_77 : memref<1x128xi32, #tpu.memory_space<vmem>> -> memref<128xi32, #tpu.memory_space<vmem>>
      %dma_wait3A_79 = arith.constant 0 : i32
      %dma_wait3A_80 = arith.constant 0 : i32
      %dma_wait3A_81 = tpu.memref_slice %arg2[%dma_wait3A_79, %dma_wait3A_80] : memref<106529x128xf32, #tpu.memory_space<hbm>> -> memref<106529x128xf32, #tpu.memory_space<hbm>>
      tpu.wait_indirect_dma semaphore(%arg13 : memref<!tpu.dma_semaphore, #tpu.memory_space<semaphore_mem>>) src(%dma_wait3A_81 : memref<106529x128xf32, #tpu.memory_space<hbm>>) dst(%arg12 : memref<128x128xf32, #tpu.memory_space<vmem>>)
      %add3A_82 = arith.constant 139264 : i32
      %add3A_83 = arith.addi %add3A_82, %mul3A_15 : i32
      %mul3A_84 = arith.constant 128 : i32
      %mul3A_85 = arith.muli %scan3A_71, %mul3A_84 : i32
      %add3A_86 = arith.addi %add3A_83, %mul3A_85 : i32
      "tpu.region"() ({
        %run_scoped3A = tpu.sem_alloc : memref<!tpu.dma_semaphore, #tpu.memory_space<semaphore_mem>>
        %dma_start3A_87 = arith.constant 0 : i32
        %dma_start3A_88 = tpu.memref_slice %arg6[%add3A_86, %dma_start3A_87] : memref<204832x128xf32, #tpu.memory_space<hbm>> -> memref<128x128xf32, #tpu.memory_space<hbm>>
        %dma_start3A_89 = arith.constant 0 : i32
        %dma_start3A_90 = tpu.memref_slice %arg6[%add3A_86, %dma_start3A_89] : memref<204832x128xf32, #tpu.memory_space<hbm>> -> memref<128x128xf32, #tpu.memory_space<hbm>>
        tpu.enqueue_dma source(%arg12 : memref<128x128xf32, #tpu.memory_space<vmem>>) target(%dma_start3A_90 : memref<128x128xf32, #tpu.memory_space<hbm>>) target_semaphore(%run_scoped3A : memref<!tpu.dma_semaphore, #tpu.memory_space<semaphore_mem>>)
        %dma_wait3A_91 = arith.constant 0 : i32
        %dma_wait3A_92 = tpu.memref_slice %arg6[%add3A_86, %dma_wait3A_91] : memref<204832x128xf32, #tpu.memory_space<hbm>> -> memref<128x128xf32, #tpu.memory_space<hbm>>
        %dma_wait3A_93 = arith.constant 0 : i32
        %dma_wait3A_94 = tpu.memref_slice %arg6[%add3A_86, %dma_wait3A_93] : memref<204832x128xf32, #tpu.memory_space<hbm>> -> memref<128x128xf32, #tpu.memory_space<hbm>>
        tpu.wait_dma2 semaphore(%run_scoped3A : memref<!tpu.dma_semaphore, #tpu.memory_space<semaphore_mem>>) src(%arg12 : memref<128x128xf32, #tpu.memory_space<vmem>>) dst(%dma_wait3A_94 : memref<128x128xf32, #tpu.memory_space<hbm>>)
        tpu.yield
      }) : () -> ()
    }
    %scan3A_66 = arith.constant 16 : i32
    %eq3A = arith.constant 31 : i32
    %eq3A_67 = arith.cmpi eq, %add3A, %eq3A : i32
    %convert_element_type3A_68 = arith.extui %eq3A_67 : i1 to i32
    %cond3A_69 = arith.constant 0 : i32
    %cond3A_70 = arith.cmpi ne, %convert_element_type3A_68, %cond3A_69 : i32
    scf.if %cond3A_70 {
      %add3A_71 = arith.constant 65536 : i32
      %add3A_72 = vector.broadcast %add3A_71 : i32 to vector<16xi32>
      %add3A_73 = arith.addi %add3A_72, %iota3A : vector<16xi32>
      %div3A_74 = arith.constant 2049 : i32
      %div3A_75 = vector.broadcast %div3A_74 : i32 to vector<16xi32>
      %div3A_76 = arith.divsi %add3A_73, %div3A_75 : vector<16xi32>
      %mul3A_77 = arith.constant 2049 : i32
      %mul3A_78 = vector.broadcast %mul3A_77 : i32 to vector<16xi32>
      %mul3A_79 = arith.muli %div3A_76, %mul3A_78 : vector<16xi32>
      %sub3A_80 = arith.subi %add3A_73, %mul3A_79 : vector<16xi32>
      %lt3A_81 = arith.constant 16 : i32
      %lt3A_82 = vector.broadcast %lt3A_81 : i32 to vector<16xi32>
      %lt3A_83 = arith.cmpi slt, %div3A_76, %lt3A_82 : vector<16xi32>
      %mul3A_84 = arith.constant 1025 : i32
      %mul3A_85 = vector.broadcast %mul3A_84 : i32 to vector<16xi32>
      %mul3A_86 = arith.muli %div3A_76, %mul3A_85 : vector<16xi32>
      %add3A_87 = arith.constant 73728 : i32
      %add3A_88 = vector.broadcast %add3A_87 : i32 to vector<16xi32>
      %add3A_89 = arith.addi %add3A_88, %mul3A_86 : vector<16xi32>
      %sub3A_90 = arith.constant 16 : i32
      %sub3A_91 = vector.broadcast %sub3A_90 : i32 to vector<16xi32>
      %sub3A_92 = arith.subi %div3A_76, %sub3A_91 : vector<16xi32>
      %mul3A_93 = arith.constant 1025 : i32
      %mul3A_94 = vector.broadcast %mul3A_93 : i32 to vector<16xi32>
      %mul3A_95 = arith.muli %sub3A_92, %mul3A_94 : vector<16xi32>
      %add3A_96 = arith.constant 90128 : i32
      %add3A_97 = vector.broadcast %add3A_96 : i32 to vector<16xi32>
      %add3A_98 = arith.addi %add3A_97, %mul3A_95 : vector<16xi32>
      %select_n3A_99 = arith.select %lt3A_83, %add3A_89, %add3A_98 : vector<16xi1>, vector<16xi32>
      %sub3A_100 = vector.broadcast %select_n3A : i32 to vector<16xi32>
      %sub3A_101 = arith.subi %div3A_76, %sub3A_100 : vector<16xi32>
      %mul3A_102 = arith.constant 2048 : i32
      %mul3A_103 = vector.broadcast %mul3A_102 : i32 to vector<16xi32>
      %mul3A_104 = arith.muli %sub3A_101, %mul3A_103 : vector<16xi32>
      %sub3A_105 = arith.constant 1 : i32
      %sub3A_106 = vector.broadcast %sub3A_105 : i32 to vector<16xi32>
      %sub3A_107 = arith.subi %sub3A_80, %sub3A_106 : vector<16xi32>
      %max3A = arith.constant 0 : i32
      %max3A_108 = vector.broadcast %max3A : i32 to vector<16xi32>
      %max3A_109 = arith.maxsi %sub3A_107, %max3A_108 : vector<16xi32>
      %add3A_110 = arith.addi %mul3A_104, %max3A_109 : vector<16xi32>
      %gather3A = tpu.vector_load_idx %arg9[%add3A_110] : memref<4096xi32, #tpu.memory_space<vmem>>[vector<16xi32>], vector<16xi32>,
      %eq3A_111 = arith.constant 0 : i32
      %eq3A_112 = vector.broadcast %eq3A_111 : i32 to vector<16xi32>
      %eq3A_113 = arith.cmpi eq, %sub3A_80, %eq3A_112 : vector<16xi32>
      %lt3A_114 = arith.constant 1024 : i32
      %lt3A_115 = vector.broadcast %lt3A_114 : i32 to vector<16xi32>
      %lt3A_116 = arith.cmpi slt, %gather3A, %lt3A_115 : vector<16xi32>
      %add3A_117 = arith.constant 1 : i32
      %add3A_118 = vector.broadcast %add3A_117 : i32 to vector<16xi32>
      %add3A_119 = arith.addi %select_n3A_99, %add3A_118 : vector<16xi32>
      %add3A_120 = arith.addi %add3A_119, %gather3A : vector<16xi32>
      %jit3A_121 = arith.constant 106528 : i32
      %broadcast_in_dim3A = vector.broadcast %jit3A_121 : i32 to vector<16xi32>
      %select_n3A_122 = arith.select %lt3A_116, %add3A_120, %broadcast_in_dim3A : vector<16xi1>, vector<16xi32>
      %select_n3A_123 = arith.select %eq3A_113, %select_n3A_99, %select_n3A_122 : vector<16xi1>, vector<16xi32>
      %swap3A = arith.constant 0 : index
      %swap3A_124 = tpu.vector_load %arg11[%swap3A] {strides = array<i32>} : memref<32xi32, #tpu.memory_space<vmem>>, vector<16xi32>,
      tpu.vector_store %arg11[%swap3A], %select_n3A_123 {strides = array<i32>} : memref<32xi32, #tpu.memory_space<vmem>>, vector<16xi32>,
      %add3A_125 = arith.constant 65552 : i32
      %add3A_126 = vector.broadcast %add3A_125 : i32 to vector<16xi32>
      %add3A_127 = arith.addi %add3A_126, %iota3A : vector<16xi32>
      %div3A_128 = arith.constant 2049 : i32
      %div3A_129 = vector.broadcast %div3A_128 : i32 to vector<16xi32>
      %div3A_130 = arith.divsi %add3A_127, %div3A_129 : vector<16xi32>
      %mul3A_131 = arith.constant 2049 : i32
      %mul3A_132 = vector.broadcast %mul3A_131 : i32 to vector<16xi32>
      %mul3A_133 = arith.muli %div3A_130, %mul3A_132 : vector<16xi32>
      %sub3A_134 = arith.subi %add3A_127, %mul3A_133 : vector<16xi32>
      %lt3A_135 = arith.constant 16 : i32
      %lt3A_136 = vector.broadcast %lt3A_135 : i32 to vector<16xi32>
      %lt3A_137 = arith.cmpi slt, %div3A_130, %lt3A_136 : vector<16xi32>
      %mul3A_138 = arith.constant 1025 : i32
      %mul3A_139 = vector.broadcast %mul3A_138 : i32 to vector<16xi32>
      %mul3A_140 = arith.muli %div3A_130, %mul3A_139 : vector<16xi32>
      %add3A_141 = arith.constant 73728 : i32
      %add3A_142 = vector.broadcast %add3A_141 : i32 to vector<16xi32>
      %add3A_143 = arith.addi %add3A_142, %mul3A_140 : vector<16xi32>
      %sub3A_144 = arith.constant 16 : i32
      %sub3A_145 = vector.broadcast %sub3A_144 : i32 to vector<16xi32>
      %sub3A_146 = arith.subi %div3A_130, %sub3A_145 : vector<16xi32>
      %mul3A_147 = arith.constant 1025 : i32
      %mul3A_148 = vector.broadcast %mul3A_147 : i32 to vector<16xi32>
      %mul3A_149 = arith.muli %sub3A_146, %mul3A_148 : vector<16xi32>
      %add3A_150 = arith.constant 90128 : i32
      %add3A_151 = vector.broadcast %add3A_150 : i32 to vector<16xi32>
      %add3A_152 = arith.addi %add3A_151, %mul3A_149 : vector<16xi32>
      %select_n3A_153 = arith.select %lt3A_137, %add3A_143, %add3A_152 : vector<16xi1>, vector<16xi32>
      %sub3A_154 = vector.broadcast %select_n3A : i32 to vector<16xi32>
      %sub3A_155 = arith.subi %div3A_130, %sub3A_154 : vector<16xi32>
      %mul3A_156 = arith.constant 2048 : i32
      %mul3A_157 = vector.broadcast %mul3A_156 : i32 to vector<16xi32>
      %mul3A_158 = arith.muli %sub3A_155, %mul3A_157 : vector<16xi32>
      %sub3A_159 = arith.constant 1 : i32
      %sub3A_160 = vector.broadcast %sub3A_159 : i32 to vector<16xi32>
      %sub3A_161 = arith.subi %sub3A_134, %sub3A_160 : vector<16xi32>
      %max3A_162 = arith.constant 0 : i32
      %max3A_163 = vector.broadcast %max3A_162 : i32 to vector<16xi32>
      %max3A_164 = arith.maxsi %sub3A_161, %max3A_163 : vector<16xi32>
      %add3A_165 = arith.addi %mul3A_158, %max3A_164 : vector<16xi32>
      %gather3A_166 = tpu.vector_load_idx %arg9[%add3A_165] : memref<4096xi32, #tpu.memory_space<vmem>>[vector<16xi32>], vector<16xi32>,
      %eq3A_167 = arith.constant 0 : i32
      %eq3A_168 = vector.broadcast %eq3A_167 : i32 to vector<16xi32>
      %eq3A_169 = arith.cmpi eq, %sub3A_134, %eq3A_168 : vector<16xi32>
      %lt3A_170 = arith.constant 1024 : i32
      %lt3A_171 = vector.broadcast %lt3A_170 : i32 to vector<16xi32>
      %lt3A_172 = arith.cmpi slt, %gather3A_166, %lt3A_171 : vector<16xi32>
      %add3A_173 = arith.constant 1 : i32
      %add3A_174 = vector.broadcast %add3A_173 : i32 to vector<16xi32>
      %add3A_175 = arith.addi %select_n3A_153, %add3A_174 : vector<16xi32>
      %add3A_176 = arith.addi %add3A_175, %gather3A_166 : vector<16xi32>
      %jit3A_177 = arith.constant 106528 : i32
      %broadcast_in_dim3A_178 = vector.broadcast %jit3A_177 : i32 to vector<16xi32>
      %select_n3A_179 = arith.select %lt3A_172, %add3A_176, %broadcast_in_dim3A_178 : vector<16xi1>, vector<16xi32>
      %select_n3A_180 = arith.select %eq3A_169, %select_n3A_153, %select_n3A_179 : vector<16xi1>, vector<16xi32>
      %swap3A_181 = arith.constant 16 : index
      %swap3A_182 = tpu.vector_load %arg11[%swap3A_181] {strides = array<i32>} : memref<32xi32, #tpu.memory_space<vmem>>, vector<16xi32>,
      tpu.vector_store %arg11[%swap3A_181], %select_n3A_180 {strides = array<i32>} : memref<32xi32, #tpu.memory_space<vmem>>, vector<16xi32>,
      %dma_start3A = arith.constant 0 : i32
      %dma_start3A_183 = arith.constant 0 : i32
      %dma_start3A_184 = tpu.memref_slice %arg12[%dma_start3A, %dma_start3A_183] : memref<128x128xf32, #tpu.memory_space<vmem>> -> memref<32x128xf32, #tpu.memory_space<vmem>>
      %dma_start3A_185 = arith.constant 0 : i32
      %dma_start3A_186 = arith.constant 0 : i32
      %dma_start3A_187 = tpu.memref_slice %arg2[%dma_start3A_185, %dma_start3A_186] : memref<106529x128xf32, #tpu.memory_space<hbm>> -> memref<106529x128xf32, #tpu.memory_space<hbm>>
      tpu.enqueue_indirect_dma source(%dma_start3A_187 : memref<106529x128xf32, #tpu.memory_space<hbm>>) target(%dma_start3A_184 : memref<32x128xf32, #tpu.memory_space<vmem>>) offsets(%arg11 : memref<32xi32, #tpu.memory_space<vmem>>) semaphore(%arg13 : memref<!tpu.dma_semaphore, #tpu.memory_space<semaphore_mem>>)
      %dma_wait3A = arith.constant 0 : i32
      %dma_wait3A_188 = arith.constant 0 : i32
      %dma_wait3A_189 = tpu.memref_slice %arg12[%dma_wait3A, %dma_wait3A_188] : memref<128x128xf32, #tpu.memory_space<vmem>> -> memref<32x128xf32, #tpu.memory_space<vmem>>
      %dma_wait3A_190 = arith.constant 0 : i32
      %dma_wait3A_191 = arith.constant 0 : i32
      %dma_wait3A_192 = tpu.memref_slice %arg2[%dma_wait3A_190, %dma_wait3A_191] : memref<106529x128xf32, #tpu.memory_space<hbm>> -> memref<106529x128xf32, #tpu.memory_space<hbm>>
      tpu.wait_indirect_dma semaphore(%arg13 : memref<!tpu.dma_semaphore, #tpu.memory_space<semaphore_mem>>) src(%dma_wait3A_192 : memref<106529x128xf32, #tpu.memory_space<hbm>>) dst(%dma_wait3A_189 : memref<32x128xf32, #tpu.memory_space<vmem>>)
      "tpu.region"() ({
        %run_scoped3A = tpu.sem_alloc : memref<!tpu.dma_semaphore, #tpu.memory_space<semaphore_mem>>
        %dma_start3A_193 = arith.constant 0 : i32
        %dma_start3A_194 = arith.constant 0 : i32
        %dma_start3A_195 = tpu.memref_slice %arg12[%dma_start3A_193, %dma_start3A_194] : memref<128x128xf32, #tpu.memory_space<vmem>> -> memref<32x128xf32, #tpu.memory_space<vmem>>
        %dma_start3A_196 = arith.constant 204800 : i32
        %dma_start3A_197 = arith.constant 0 : i32
        %dma_start3A_198 = tpu.memref_slice %arg6[%dma_start3A_196, %dma_start3A_197] : memref<204832x128xf32, #tpu.memory_space<hbm>> -> memref<32x128xf32, #tpu.memory_space<hbm>>
        %dma_start3A_199 = arith.constant 204800 : i32
        %dma_start3A_200 = arith.constant 0 : i32
        %dma_start3A_201 = tpu.memref_slice %arg6[%dma_start3A_199, %dma_start3A_200] : memref<204832x128xf32, #tpu.memory_space<hbm>> -> memref<32x128xf32, #tpu.memory_space<hbm>>
        %dma_start3A_202 = arith.constant 0 : i32
        %dma_start3A_203 = arith.constant 0 : i32
        %dma_start3A_204 = tpu.memref_slice %arg12[%dma_start3A_202, %dma_start3A_203] : memref<128x128xf32, #tpu.memory_space<vmem>> -> memref<32x128xf32, #tpu.memory_space<vmem>>
        tpu.enqueue_dma source(%dma_start3A_204 : memref<32x128xf32, #tpu.memory_space<vmem>>) target(%dma_start3A_201 : memref<32x128xf32, #tpu.memory_space<hbm>>) target_semaphore(%run_scoped3A : memref<!tpu.dma_semaphore, #tpu.memory_space<semaphore_mem>>)
        %dma_wait3A_205 = arith.constant 0 : i32
        %dma_wait3A_206 = arith.constant 0 : i32
        %dma_wait3A_207 = tpu.memref_slice %arg12[%dma_wait3A_205, %dma_wait3A_206] : memref<128x128xf32, #tpu.memory_space<vmem>> -> memref<32x128xf32, #tpu.memory_space<vmem>>
        %dma_wait3A_208 = arith.constant 204800 : i32
        %dma_wait3A_209 = arith.constant 0 : i32
        %dma_wait3A_210 = tpu.memref_slice %arg6[%dma_wait3A_208, %dma_wait3A_209] : memref<204832x128xf32, #tpu.memory_space<hbm>> -> memref<32x128xf32, #tpu.memory_space<hbm>>
        %dma_wait3A_211 = arith.constant 204800 : i32
        %dma_wait3A_212 = arith.constant 0 : i32
        %dma_wait3A_213 = tpu.memref_slice %arg6[%dma_wait3A_211, %dma_wait3A_212] : memref<204832x128xf32, #tpu.memory_space<hbm>> -> memref<32x128xf32, #tpu.memory_space<hbm>>
        %dma_wait3A_214 = arith.constant 0 : i32
        %dma_wait3A_215 = arith.constant 0 : i32
        %dma_wait3A_216 = tpu.memref_slice %arg12[%dma_wait3A_214, %dma_wait3A_215] : memref<128x128xf32, #tpu.memory_space<vmem>> -> memref<32x128xf32, #tpu.memory_space<vmem>>
        tpu.wait_dma2 semaphore(%run_scoped3A : memref<!tpu.dma_semaphore, #tpu.memory_space<semaphore_mem>>) src(%dma_wait3A_216 : memref<32x128xf32, #tpu.memory_space<vmem>>) dst(%dma_wait3A_213 : memref<32x128xf32, #tpu.memory_space<hbm>>)
        tpu.yield
      }) : () -> ()
    } else {
    }
    return
  }
}

</mosaic_0001>

<sc_bundles>
// kernel: kernel.3.cloned.1.call-start
scs
__scs_entry_jumppad:
0x0: {  	(pc) =	sbr.rel $0x88, $3  }
0x1: {  	(tag) =	ssettag $0x0;
	lr =	simm.s32 $0x1  }
0x2: {  	[smem:$0x3F9A] =	sst lr;
	_ =	strace $0xD0000000  }
0x3: {  	_ = 	snop  }
0x4: {  	_ = 	snop  }
0x5: {  	_ = 	snop  }
0x6: {  	_ = 	snop  }
0x7: {  	_ = 	snop  }
__scs_overlays_trampoline_lowered:
0x8: {  	[smem:$0x3FA9] =	sst s0  }
0x9: {  	[smem:$0x3FAA] =	sst s1  }
0xa: {  	[smem:$0x3FAB] =	sst s2  }
0xb: {  	[smem:$0x3FAC] =	sst s3  }
0xc: {  	[smem:$0x3FAD] =	sst s4  }
0xd: {  	[smem:$0x3FAE] =	sst s5  }
0xe: {  	[smem:$0x3FAF] =	sst s6  }
0xf: {  	[smem:$0x3FB0] =	sst s7  }
0x10: {  	[smem:$0x3FB1] =	sst s8  }
0x11: {  	[smem:$0x3FB2] =	sst s9;
	s0 =	simm.s32 @!p0 $0x0  }
0x12: {  	s1 =	sld [smem:$0x3F98];
	s0 =	simm.s32 @p0 $0x1  }
0x13: {  	[smem:$0x3FB3] =	sst s0;
	s0 =	simm.s32 @!p1 $0x0  }
0x14: {  	s2 =	sld [smem:$0x3F97];
	s0 =	simm.s32 @p1 $0x1  }
0x15: {  	[smem:$0x3FB4] =	sst s0;
	s0 =	simm.s32 @!p2 $0x0  }
0x16: {  	s3 =	sld [smem:$0x3FDB];
	s0 =	simm.s32 @p2 $0x1  }
0x17: {  	s4 =	simm.s32 $0x1BF5;
	[smem:$0x3FB6] =	sst s0  }
0x18: {  	s0 =	sld [smem:$0x3F99];
	_ =	swait.ge [sflag:s4], $0x0  }
0x19: {  	s7 =	sld [smem:$0x3F9A]  }
0x1a: {  	s8 =	sadd.s32 $0xFFFFE003, lr  }
0x1b: {  	s9 =	sadd.s32 $0xFFFFFEF7, lr;
	s5 =	simm.s32 $0xFFFFFFFF;
	p2 =	slt.u32 s8, $0xFFFFF086  }
0x1c: {  	p1 =	slt.u32 s9, $0xF7A;
	s5 =	simm.s32 @!p2 $0x0  }
0x1d: {  	s5 =	simm.s32 @p1 $0x1;
	p0 =	seq.s32 s7, s2  }
0x1e: {  	s7 =	smul.u32 @!p0 $0xF7A, s2;
	p2 =	seq.s32 @!p0 s5, $0x0  }
0x1f: {  	s9 =	smul.u32 $0xF7A, s1;
	s8 =	simm.s32 @!p0 $0x1BF5;
	p2 =	por !p2, p0  }
0x20: {  	[sflag:s8] =	ssyncset.s32 @!p0 $0xFFFFF086;
	s6 =	sadd.s32 @!p0 s3, s7;
	s7 =	simm.s32 @!p0 $0x108  }
0x21: {  	s3 =	sadd.s32 s3, s9;
	s6 =	sadd.s32 @!p0 $0x88, s6;
	s7 =	simm.s32 @p2 $0x1082  }
0x22: {  	[simem:s7], [sflag:s8] =	dma.local @!p0 [hbm:s6], $0xF7A  }
0x23: {  	s9 =	sor.u32 $0xD0000000, s2;
	s6 =	simm.s32 $0x108;
	_ =	swait.ge @!p0 [sflag:s8], $0x0  }
0x24: {  	s3 =	sadd.s32 $0x88, s3;
	s6 =	simm.s32 @!p1 $0x1082;
	[sflag:s4] =	ssyncset.s32 $0xFFFFF086  }
0x25: {  	[simem:s6], [sflag:s4] =	dma.local [hbm:s3], $0xF7A  }
0x26: {  	[smem:$0x3F9A] =	sst s1;
	(tag) =	ssettag s2;
	_ =	strace s9  }
0x27: {  	s1 =	sld [smem:$0x3FAA]  }
0x28: {  	s2 =	sld [smem:$0x3FAB]  }
0x29: {  	s4 =	sld [smem:$0x3FAD]  }
0x2a: {  	p0 =	seq.s32 s5, $0x0;
	s5 =	sld [smem:$0x3FAE]  }
0x2b: {  	s6 =	sld [smem:$0x3FAF]  }
0x2c: {  	s7 =	sld [smem:$0x3FB0]  }
0x2d: {  	s3 =	simm.s32 $0x108;
	s8 =	sld [smem:$0x3FB1]  }
0x2e: {  	s3 =	simm.s32 @!p0 $0x1082;
	s9 =	sld [smem:$0x3FB2]  }
0x2f: {  	lr =	sadd.s32 s0, s3;
	s0 =	sld [smem:$0x3FA9]  }
0x30: {  	s3 =	sld [smem:$0x3FAC]  }
0x31: {  	[smem:$0x3FB5] =	sst s10  }
0x32: {  	s10 =	sld [smem:$0x3FB3];
	_ =	sdelay $0x3  }
0x33: {  	p0 =	seq.s32 s10, $0x1;
	s10 =	sld [smem:$0x3FB5];
	_ =	sdelay $0x3  }
0x34: {  	[smem:$0x3FB5] =	sst s10  }
0x35: {  	s10 =	sld [smem:$0x3FB4];
	_ =	sdelay $0x3  }
0x36: {  	p1 =	seq.s32 s10, $0x1;
	s10 =	sld [smem:$0x3FB5];
	_ =	sdelay $0x3  }
0x37: {  	[smem:$0x3FB5] =	sst s10  }
0x38: {  	s10 =	sld [smem:$0x3FB6]  }
0x39: {  	_ = 	snop;
	(pc) =	sbr.ind lr, $3  }
0x3a: {  	_ = 	snop  }
0x3b: {  	_ = 	snop  }
0x3c: {  	p2 =	seq.s32 s10, $0x1;
	s10 =	sld [smem:$0x3FB5]  }
0x3d: {  	_ =	shalt  }
0x3e: {  	_ =	shalt  }
0x3f: {  	_ =	shalt  }
0x40: {  	_ =	shalt  }
0x41: {  	_ =	shalt  }
0x42: {  	_ =	shalt  }
0x43: {  	_ =	shalt  }
0x44: {  	_ =	shalt  }
0x45: {  	_ =	shalt  }
0x46: {  	_ =	shalt  }
0x47: {  	_ =	shalt  }
0x48: {  	_ =	shalt  }
0x49: {  	_ =	shalt  }
0x4a: {  	_ =	shalt  }
0x4b: {  	_ =	shalt  }
0x4c: {  	_ =	shalt  }
0x4d: {  	_ =	shalt  }
0x4e: {  	_ =	shalt  }
0x4f: {  	_ =	shalt  }
0x50: {  	_ =	shalt  }
0x51: {  	_ =	shalt  }
0x52: {  	_ =	shalt  }
0x53: {  	_ =	shalt  }
0x54: {  	_ =	shalt  }
0x55: {  	_ =	shalt  }
0x56: {  	_ =	shalt  }
0x57: {  	_ =	shalt  }
0x58: {  	_ =	shalt  }
0x59: {  	_ =	shalt  }
0x5a: {  	_ =	shalt  }
0x5b: {  	_ =	shalt  }
0x5c: {  	_ =	shalt  }
0x5d: {  	_ =	shalt  }
0x5e: {  	_ =	shalt  }
0x5f: {  	_ =	shalt  }
0x60: {  	_ =	shalt  }
0x61: {  	_ =	shalt  }
0x62: {  	_ =	shalt  }
0x63: {  	_ =	shalt  }
0x64: {  	_ =	shalt  }
0x65: {  	_ =	shalt  }
0x66: {  	_ =	shalt  }
0x67: {  	_ =	shalt  }
0x68: {  	_ =	shalt  }
0x69: {  	_ =	shalt  }
0x6a: {  	_ =	shalt  }
0x6b: {  	_ =	shalt  }
0x6c: {  	_ =	shalt  }
0x6d: {  	_ =	shalt  }
0x6e: {  	_ =	shalt  }
0x6f: {  	_ =	shalt  }
0x70: {  	_ =	shalt  }
0x71: {  	_ =	shalt  }
0x72: {  	_ =	shalt  }
0x73: {  	_ =	shalt  }
0x74: {  	_ =	shalt  }
0x75: {  	_ =	shalt  }
0x76: {  	_ =	shalt  }
0x77: {  	_ =	shalt  }
0x78: {  	_ =	shalt  }
0x79: {  	_ =	shalt  }
0x7a: {  	_ =	shalt  }
0x7b: {  	_ =	shalt  }
0x7c: {  	_ =	shalt  }
0x7d: {  	_ =	shalt  }
0x7e: {  	_ =	shalt  }
0x7f: {  	_ =	shalt  }
0x80: {  	_ =	shalt  }
0x81: {  	_ =	shalt  }
0x82: {  	_ =	shalt  }
0x83: {  	_ =	shalt  }
0x84: {  	_ =	shalt  }
0x85: {  	_ =	shalt  }
0x86: {  	_ =	shalt  }
0x87: {  	_ =	shalt  }
.Lfunc_end0:
.L_simem_size_0:
called_computation_lowered:
.L_overlay_start_0:
0x88: {  	s2 =	sld [smem:$0x3FD9]  }
0x89: {  	s3 =	sld [smem:$0x3FFE];
	_ =	sdelay $0x1  }
0x8a: {  	s1 =	srdreg.scid  }
0x8b: {  	s0 =	sand.u32 $0x1, s1  }
0x8c: {  	s17 =	sshll.u32 s0, $0xA;
	s2 =	sadd.s32 s3, s2  }
0x8d: {  	s2 =	sadd.s32 s2, s17  }
0x8e: {  	[smem:$0x3FC1] =	sst s2  }
0x8f: {  	_ = 	snop  }
0x90: {  	s2 =	sld [smem:$0x3FD0];
	(tm) =	ssettm $0x1  }
0x91: {  	s18 =	sld [smem:$0x3FFB];
	_ =	sdelay $0x3  }
0x92: {  	_ =	strace s18  }
0x93: {  	s3 =	sld [smem:$0x3FFC];
	_ =	sdelay $0x3  }
0x94: {  	_ =	strace s3  }
0x95: {  	s3 =	sld [smem:$0x3FFD];
	_ =	sdelay $0x3  }
0x96: {  	_ =	strace s3  }
0x97: {  	_ =	strace $0x8FFFFFFF  }
0x98: {  	s19 =	sld [smem:$0x3FDB];
	_ =	sdelay $0x1  }
0x99: {  	s4 =	simm.s32 $_scs_section_size  }
0x9a: {  	s5 =	simm.s32 $_size__tile_overlayer_lowered;
	s6 =	simm.s32 $_tile_overlayer_lowered  }
0x9b: {  	s22 =	simm.s32 $0x1BFF;
	s21 =	sshll.u32 s6, $0x1;
	s3 =	sadd.s32 s4, s19  }
0x9c: {  	s7 =	simm.s32 $0x0;
	s20 =	sshll.u32 s5, $0x1;
	s5 =	sadd.s32 s21, s3  }
0x9d: {  	[timem:s7], [sflag:s22] =	dma.local [hbm:s5], s20  }
0x9e: {  	_ =	swait.ge [sflag:s22], s20  }
0x9f: {  	s4 =	ssub.s32 $0x0, s20;
	[sflag:s22] =	ssyncset.done $0x0  }
0xa0: {  	[sflag:s22] =	ssyncadd.s32 s4;
	_ =	sdelay $0x1  }
0xa1: {  	s23 =	simm.s32 $0x1B8B  }
0xa2: {  	_ =	swait.ge [sflag:s23], $0x1  }
0xa3: {  	[sflag:s23] =	ssyncset.done $0x0  }
0xa4: {  	s25 =	simm.s32 $0x1B8E;
	s24 =	sld [smem:$0x3FFE];
	[sflag:s23] =	ssyncadd.s32 $0xFFFFFFFF  }
0xa5: {  	s26 =	simm.s32 $execute0_lowered;
	[smem:$0x3FD2] =	sst s25  }
0xa6: {  	s5 =	sshll.u32 s26, $0x1;
	_ =	strace $0x80000046;
	[dreg:$0x1] =	wrdreg $0xFFFFFFFF  }
0xa7: {  	s28 =	simm.s32 $_size_execute0_lowered;
	s3 =	sadd.s32 s3, s5;
	[dreg:$0x0] =	wrdreg $0x0  }
0xa8: {  	s5 =	sshll.u32 s28, $0x1;
	[dreg:$0x2] =	wrdreg s3  }
0xa9: {  	[dreg:$0x3] =	wrdreg s5  }
0xaa: {  	[dreg:$0x4] =	wrdreg $0xC0  }
0xab: {  	_ =	task [dreg:s7], $0x5FFFF  }
0xac: {  	[dreg:$0x1] =	wrdreg $0xFFFFFFFF  }
0xad: {  	[dreg:$0x0] =	wrdreg $0x60  }
0xae: {  	[dreg:$0x2] =	wrdreg s24  }
0xaf: {  	[dreg:$0x3] =	wrdreg s2  }
0xb0: {  	[dreg:$0x4] =	wrdreg $0x9  }
0xb1: {  	_ =	task.clear_ibuf [dreg:s7], $0x5FFFF;
	_ =	strace $0x90000046  }
0xb2: {  	s29 =	simm.s32 $0x9;
	_ =	strace $0x80000048  }
0xb3: {  	_ =	swait.ge [sflag:s29], $0x1  }
0xb4: {  	[sflag:s29] =	ssyncadd.s32 $0xFFFFFFFF  }
0xb5: {  	_ =	strace $0x90000048  }
0xb6: {  	_ =	sfence  }
0xb7: {  	s30 =	sld [smem:$0x0];
	_ =	sdelay $0x2  }
0xb8: {  	s31 =	sshll.u32 s1, $0xD;
	s1 =	sshrl.u32 s1, $0x2  }
0xb9: {  	s3 =	sand.u32 $0x4000, s31;
	s1 =	sadd.s32 s1, s30  }
0xba: {  	s0 =	sor.u32 s3, s0;
	s1 =	sshll.u32 s1, $0x11  }
0xbb: {  	s0 =	sor.u32 s1, s0  }
0xbc: {  	s0 =	sadd.s32 $0x8F2B, s0  }
0xbd: {  	[sflag:s0] =	ssyncadd.remote.s32 $0x1  }
0xbe: {  	_ =	sfence.sel $0xFFFF  }
0xbf: {  	[dreg:$0x0] =	wrdreg $0xFFFFFFFF;
	(pc) =	sbr.abs _section_cstart, $3  }
0xc0: {  	[dreg:$0x1] =	wrdreg $0xFFFFFFFF  }
0xc1: {  	_ =	task.clear_ibuf [dreg:s7], $0x2FFFF;
	_ =	strace $0x9FFFFFFF  }
0xc2: {  	(tm) =	ssettm $0x7FFFFFFF  }
0xc3: {  	_ =	shalt  }
tec
execute0_lowered:
.L_overlay_start_1:
0x0: {  	(tag) =	ssettag $0x1  }
0x1: {  	s4 =	rddreg [dreg:$0x0]  }
0x2: {  	s9 =	rddreg [dreg:$0x1]  }
0x3: {  	s0 =	rddreg [dreg:$0x2];
	s2 =	simm.s32 $0x0;
	s3 =	srdreg.scid  }
0x4: {  	s1 =	stileid.u32;
	[smem:$0x7FF] =	sst s2;
	s10 =	sand.u32 $0x1, s3  }
0x5: {  	s21 =	sshll.u32 s1, $0x1;
	s3 =	sadd.s32 $0x127200, s4;
	s8 =	sadd.s32 $0x1200, s4  }
0x6: {  	s11 =	sadd.s32 $0x2200, s4;
	p1 =	slt.u32 s1, $0x8;
	s15 =	smul.u32 $0x22000, s1  }
0x7: {  	s28 =	sshll.u32 s1, $0xC;
	s29 =	sshll.u32 s1, $0x10;
	_ =	strace $0x80000047  }
0x8: {  	s18 =	sor.u32 s10, s21;
	s6 =	ssub.s32 $0x2, s10;
	s14 =	smov.u32 s11  }
0x9: {  	s11 =	smov.u32 @p1 s8;
	s26 =	smul.u32 $0x11000, s10;
	s30 =	sshll.u32 s10, $0xB  }
0xa: {  	s16 =	sshll.u32 s10, $0xF;
	s5 =	sshll.u32 s18, $0x9;
	s7 =	smul.u32 $0x7FF0800, s18  }
0xb: {  	s22 =	sshrl.u32 s6, $0x1;
	s17 =	sshll.u32 s18, $0x8;
	p0 =	slt.u32 s18, $0x11  }
0xc: {  	s25 =	sadd.s32 s15, s9;
	s10 =	sor.u32 s30, s28;
	s15 =	simm.s32 $0x1  }
0xd: {  	s5 =	sadd.s32 s5, s4;
	s6 =	ssub.s32 s6, s22;
	s14 =	smov.u32 @p0 s8  }
0xe: {  	v2 =	vmov s17;
	s17 =	simm.s32 $0x2C00;
	p0 =	sne.s32 s18, $0x1F;
	s12 =	sshrl.u32 s7, $0x1B  }
0xf: {  	s18 =	simm.s32 $0x0;
	s4 =	sadd.s32 $0x3200, s5;
	s23 =	sshll.u32 s12, $0x8;
	v0 =	vmov s12  }
0x10: {  	s6 =	smax.u32 s6, $0x1;
	s12 =	simm.s32 $0x2;
	s5 =	sadd.s32 $0x100, s23;
	v1 =	vsub.s32 $0x1F, v0  }
0x11: {  	s24 =	sand.u32 $0xF00, s23;
	s13 =	sand.u32 $0xF00, s5;
	s5 =	sadd.s32 $0x320000, s9;
	v1 =	vshll.u32 v1, $0xB  }
0x12: {  	s7 =	sadd.s32 s14, s24;
	s14 =	sadd.s32 s29, s9;
	s9 =	sadd.s32 s26, s25;
	v4 =	vbroadcast v1, $0x0;
	v1 =	vlaneseq.u32  }
0x13: {  	s8 =	sadd.s32 s11, s13;
	s31 =	sadd.s32 s16, s14;
	s13 =	simm.s32 $0x80;
	v3 =	vor.u32 $0x7E0, v1;
	v5 =	vor.u32 $0x7F0, v1  }
0x14: {  	s14 =	simm.s32 $0x3C80;
	s16 =	simm.s32 $0x2400;
	s11 =	sadd.s32 $0x220000, s31;
	v3 =	vor.u32 v3, v4;
	v4 =	vor.u32 v5, v4  }
.LBB2_1:
0x15: {  	s19 =	simm.s32 $0x0  }
0x16: {  	v5 =	vor.u32 s19, v1  }
0x17: {  	v6 =	vmulhi.u32 $0xF0F0F0F1, v5;
	_ =	sdelay $0x1  }
0x18: {  	v6 =	vshrl.u32 v6, $0x4  }
0x19: {  	v7 =	vmul.u32 $0xFFFFFFEF, v6;
	_ =	sdelay $0x1  }
0x1a: {  	v5 =	vadd.s32 v5, v7;
	v7 =	vshll.u32 v6, $0x4  }
0x1b: {  	v7 =	vadd.s32 v5, v7  }
0x1c: {  	v7 =	vadd.s32 $0xFFFFFFFF, v7  }
0x1d: {  	s25 =	simm.s32 $0x10;
	vm0 =	vgt.s32 v7, $0x0  }
0x1e: {  	v8 =	vor.u32 s25, v1;
	v7 =	vnsel vm0, $0x0, v7  }
0x1f: {  	[tilespmem:s2], [sflag:$0x2] =	stream.linear.gather [hbm4b:s4+s2], $0x1000, $0x38;
	v9 =	vmulhi.u32 $0xF0F0F0F1, v8;
	[tilespmem:$0x7C80] =	vst v63  }
0x20: {  	_ =	swait.ge [sflag:s12], $0x1000  }
0x21: {  	[sflag:s12] =	ssyncset.done $0x0;
	v10 =	vshrl.u32 v9, $0x4  }
0x22: {  	[sflag:s12] =	ssyncadd.s32 $0xFFFFF000;
	v11 =	vmul.u32 $0xFFFFFFEF, v10  }
0x23: {  	v7 =	vld.idx.msk [tilespmem:v7+s2+$0x0], $0xffff  }
0x24: {  	v9 =	vand.u32 $0xFFFFFFF0, v9;
	v8 =	vadd.s32 v8, v11  }
0x25: {  	v6 =	vadd.s32 v2, v6;
	v9 =	vadd.s32 v8, v9  }
0x26: {  	v6 =	vmul.u32 $0x9, v6;
	v9 =	vadd.s32 $0xFFFFFFFF, v9  }
0x27: {  	s26 =	simm.s32 $0x20;
	vm10 =	vgt.s32 v9, $0x0  }
0x28: {  	v12 =	vor.u32 s26, v1;
	v9 =	vnsel vm10, $0x0, v9;
	v11 =	vadd.s32 v7, v6  }
0x29: {  	vm11 =	vlt.s32 v7, $0x8;
	v7 =	vadd.s32 $0x1, v11;
	v11 =	vmulhi.u32 $0xF0F0F0F1, v12  }
0x2a: {  	vm1 =	veq.s32 v5, $0x0;
	v5 =	vnsel vm11, $0x1A020, v7  }
0x2b: {  	s19 =	simm.s32 $0x1040;
	v5 =	vsel vm1, v6, v5;
	v6 =	vshrl.u32 v11, $0x4  }
0x2c: {  	[tilespmem:s19+$0xFFFFFFC0] =	vst v5;
	v5 =	vmul.u32 $0xFFFFFFEF, v6  }
0x2d: {  	v7 =	vld.idx.msk [tilespmem:v9+s2+$0x0], $0xffff  }
0x2e: {  	v9 =	vand.u32 $0xFFFFFFF0, v11;
	v5 =	vadd.s32 v12, v5  }
0x2f: {  	v10 =	vadd.s32 v2, v10;
	v9 =	vadd.s32 v5, v9  }
0x30: {  	v10 =	vmul.u32 $0x9, v10;
	v9 =	vadd.s32 $0xFFFFFFFF, v9  }
0x31: {  	s20 =	simm.s32 $0x30;
	vm12 =	vgt.s32 v9, $0x0  }
0x32: {  	v59 =	vor.u32 s20, v1;
	v11 =	vadd.s32 v7, v10;
	v9 =	vnsel vm12, $0x0, v9  }
0x33: {  	vm13 =	vlt.s32 v7, $0x8;
	v7 =	vadd.s32 $0x1, v11;
	v11 =	vmulhi.u32 $0xF0F0F0F1, v59  }
0x34: {  	vm14 =	veq.s32 v8, $0x0;
	v7 =	vnsel vm13, $0x1A020, v7  }
0x35: {  	v7 =	vsel vm14, v10, v7;
	v8 =	vshrl.u32 v11, $0x4  }
0x36: {  	[tilespmem:s19+$0xFFFFFFD0] =	vst v7;
	v7 =	vmul.u32 $0xFFFFFFEF, v8  }
0x37: {  	v9 =	vld.idx.msk [tilespmem:v9+s2+$0x0], $0xffff  }
0x38: {  	v10 =	vand.u32 $0xFFFFFFF0, v11;
	v7 =	vadd.s32 v59, v7  }
0x39: {  	v6 =	vadd.s32 v2, v6;
	v10 =	vadd.s32 v7, v10  }
0x3a: {  	v6 =	vmul.u32 $0x9, v6;
	v10 =	vadd.s32 $0xFFFFFFFF, v10  }
0x3b: {  	s28 =	simm.s32 $0x40;
	vm15 =	vgt.s32 v10, $0x0  }
0x3c: {  	v60 =	vor.u32 s28, v1;
	v11 =	vadd.s32 v9, v6;
	v10 =	vnsel vm15, $0x0, v10  }
0x3d: {  	vm4 =	vlt.s32 v9, $0x8;
	v9 =	vadd.s32 $0x1, v11;
	v11 =	vmulhi.u32 $0xF0F0F0F1, v60  }
0x3e: {  	vm5 =	veq.s32 v5, $0x0;
	v5 =	vnsel vm4, $0x1A020, v9  }
0x3f: {  	v5 =	vsel vm5, v6, v5;
	v6 =	vshrl.u32 v11, $0x4  }
0x40: {  	[tilespmem:s19+$0xFFFFFFE0] =	vst v5;
	v5 =	vmul.u32 $0xFFFFFFEF, v6  }
0x41: {  	v9 =	vld.idx.msk [tilespmem:v10+s2+$0x0], $0xffff  }
0x42: {  	v10 =	vand.u32 $0xFFFFFFF0, v11;
	v5 =	vadd.s32 v60, v5  }
0x43: {  	v8 =	vadd.s32 v2, v8;
	v10 =	vadd.s32 v5, v10  }
0x44: {  	v8 =	vmul.u32 $0x9, v8;
	v10 =	vadd.s32 $0xFFFFFFFF, v10  }
0x45: {  	s29 =	simm.s32 $0x50;
	vm6 =	vgt.s32 v10, $0x0  }
0x46: {  	v61 =	vor.u32 s29, v1;
	v11 =	vadd.s32 v9, v8;
	v10 =	vnsel vm6, $0x0, v10  }
0x47: {  	vm7 =	vlt.s32 v9, $0x8;
	v9 =	vadd.s32 $0x1, v11;
	v11 =	vmulhi.u32 $0xF0F0F0F1, v61  }
0x48: {  	vm8 =	veq.s32 v7, $0x0;
	v7 =	vnsel vm7, $0x1A020, v9  }
0x49: {  	v7 =	vsel vm8, v8, v7;
	v8 =	vshrl.u32 v11, $0x4  }
0x4a: {  	[tilespmem:s19+$0xFFFFFFF0] =	vst v7;
	v7 =	vmul.u32 $0xFFFFFFEF, v8  }
0x4b: {  	v9 =	vld.idx.msk [tilespmem:v10+s2+$0x0], $0xffff  }
0x4c: {  	v10 =	vand.u32 $0xFFFFFFF0, v11;
	v7 =	vadd.s32 v61, v7  }
0x4d: {  	v6 =	vadd.s32 v2, v6;
	v10 =	vadd.s32 v7, v10  }
0x4e: {  	v6 =	vmul.u32 $0x9, v6;
	v10 =	vadd.s32 $0xFFFFFFFF, v10  }
0x4f: {  	s30 =	simm.s32 $0x60;
	vm9 =	vgt.s32 v10, $0x0  }
0x50: {  	v62 =	vor.u32 s30, v1;
	v11 =	vadd.s32 v9, v6;
	v10 =	vnsel vm9, $0x0, v10  }
0x51: {  	vm10 =	vlt.s32 v9, $0x8;
	v9 =	vadd.s32 $0x1, v11;
	v11 =	vmulhi.u32 $0xF0F0F0F1, v62  }
0x52: {  	vm11 =	veq.s32 v5, $0x0;
	v5 =	vnsel vm10, $0x1A020, v9  }
0x53: {  	v5 =	vsel vm11, v6, v5;
	v9 =	vshrl.u32 v11, $0x4  }
0x54: {  	[tilespmem:s19+$0x0] =	vst v5;
	v5 =	vmul.u32 $0xFFFFFFEF, v9  }
0x55: {  	v6 =	vld.idx.msk [tilespmem:v10+s2+$0x0], $0xffff  }
0x56: {  	v10 =	vand.u32 $0xFFFFFFF0, v11;
	v5 =	vadd.s32 v62, v5  }
0x57: {  	v8 =	vadd.s32 v2, v8;
	v10 =	vadd.s32 v5, v10  }
0x58: {  	v8 =	vmul.u32 $0x9, v8;
	v10 =	vadd.s32 $0xFFFFFFFF, v10  }
0x59: {  	s31 =	simm.s32 $0x70;
	vm12 =	vgt.s32 v10, $0x0  }
0x5a: {  	v63 =	vor.u32 s31, v1;
	v11 =	vadd.s32 v6, v8;
	v10 =	vnsel vm12, $0x0, v10  }
0x5b: {  	vm13 =	vlt.s32 v6, $0x8;
	v6 =	vadd.s32 $0x1, v11;
	v11 =	vmulhi.u32 $0xF0F0F0F1, v63  }
0x5c: {  	vm14 =	veq.s32 v7, $0x0;
	v6 =	vnsel vm13, $0x1A020, v6  }
0x5d: {  	v6 =	vsel vm14, v8, v6;
	v7 =	vshrl.u32 v11, $0x4  }
0x5e: {  	[tilespmem:s19+$0x10] =	vst v6;
	v6 =	vmul.u32 $0xFFFFFFEF, v7  }
0x5f: {  	v8 =	vld.idx.msk [tilespmem:v10+s2+$0x0], $0xffff  }
0x60: {  	v10 =	vand.u32 $0xFFFFFFF0, v11;
	v6 =	vadd.s32 v63, v6  }
0x61: {  	v9 =	vadd.s32 v2, v9;
	v10 =	vadd.s32 v6, v10  }
0x62: {  	v9 =	vmul.u32 $0x9, v9;
	v10 =	vadd.s32 $0xFFFFFFFF, v10  }
0x63: {  	s23 =	simm.s32 $0x80;
	vm15 =	vgt.s32 v10, $0x0  }
0x64: {  	s22 =	simm.s32 $0x170;
	s21 =	simm.s32 $0x0;
	s20 =	simm.s32 $0xF0;
	v11 =	vadd.s32 v8, v9;
	v10 =	vnsel vm15, $0x0, v10  }
.LBB2_2:
0x65: {  	p1 =	sne.s32 s22, $0x10F0;
	v12 =	vor.u32 s23, v1;
	vm0 =	vlt.s32 v8, $0x8;
	v8 =	vadd.s32 $0x1, v11  }
0x66: {  	vm1 =	veq.s32 v5, $0x0;
	v11 =	vmulhi.u32 $0xF0F0F0F1, v12;
	v5 =	vnsel vm0, $0x1A020, v8  }
0x67: {  	v5 =	vsel vm1, v9, v5  }
0x68: {  	v8 =	vshrl.u32 v11, $0x4;
	[tilespmem:s19+$0x20] =	vst v5  }
0x69: {  	v5 =	vmul.u32 $0xFFFFFFEF, v8;
	v9 =	vld.idx.msk [tilespmem:v10+s21+$0x0], $0xffff;
	_ =	sdelay $0x1  }
0x6a: {  	v10 =	vshll.u32 v8, $0x4;
	v5 =	vadd.s32 v12, v5  }
0x6b: {  	v7 =	vadd.s32 v2, v7;
	v10 =	vadd.s32 v5, v10  }
0x6c: {  	v7 =	vmul.u32 $0x9, v7;
	v10 =	vadd.s32 $0xFFFFFFFF, v10  }
0x6d: {  	vm0 =	vgt.s32 v10, $0x0  }
0x6e: {  	s21 =	sadd.s32 $0xFFFFFFA0, s20;
	v11 =	vadd.s32 v9, v7;
	v10 =	vnsel vm0, $0x0, v10  }
0x6f: {  	v12 =	vor.u32 s21, v1;
	vm0 =	vlt.s32 v9, $0x8;
	v9 =	vadd.s32 $0x1, v11  }
0x70: {  	vm1 =	veq.s32 v6, $0x0;
	v11 =	vmulhi.u32 $0xF0F0F0F1, v12;
	v6 =	vnsel vm0, $0x1A020, v9  }
0x71: {  	v6 =	vsel vm1, v7, v6  }
0x72: {  	s21 =	simm.s32 $0x0;
	v7 =	vshrl.u32 v11, $0x4;
	[tilespmem:s19+$0x30] =	vst v6  }
0x73: {  	v9 =	vmul.u32 $0xFFFFFFEF, v7;
	v6 =	vld.idx.msk [tilespmem:v10+s21+$0x0], $0xffff;
	_ =	sdelay $0x1  }
0x74: {  	v9 =	vadd.s32 v12, v9;
	v10 =	vand.u32 $0xFFFFFFF0, v11  }
0x75: {  	v8 =	vadd.s32 v2, v8;
	v10 =	vadd.s32 v9, v10  }
0x76: {  	v8 =	vmul.u32 $0x9, v8;
	v10 =	vadd.s32 $0xFFFFFFFF, v10  }
0x77: {  	vm0 =	vgt.s32 v10, $0x0  }
0x78: {  	s23 =	sadd.s32 $0xFFFFFFB0, s20;
	v10 =	vnsel vm0, $0x0, v10;
	v11 =	vadd.s32 v6, v8  }
0x79: {  	vm0 =	vlt.s32 v6, $0x8;
	v6 =	vadd.s32 $0x1, v11;
	v11 =	vor.u32 s23, v1  }
0x7a: {  	vm1 =	veq.s32 v5, $0x0;
	v5 =	vnsel vm0, $0x1A020, v6;
	v6 =	vmulhi.u32 $0xF0F0F0F1, v11  }
0x7b: {  	s19 =	sadd.s32 $0x80, s19;
	v5 =	vsel vm1, v8, v5  }
0x7c: {  	[tilespmem:s19+$0xFFFFFFC0] =	vst v5;
	v5 =	vshrl.u32 v6, $0x4  }
0x7d: {  	v8 =	vld.idx.msk [tilespmem:v10+s21+$0x0], $0xffff;
	v10 =	vmul.u32 $0xFFFFFFEF, v5;
	_ =	sdelay $0x1  }
0x7e: {  	v6 =	vand.u32 $0xFFFFFFF0, v6;
	v10 =	vadd.s32 v11, v10  }
0x7f: {  	v7 =	vadd.s32 v2, v7;
	v6 =	vadd.s32 v10, v6  }
0x80: {  	v7 =	vmul.u32 $0x9, v7;
	v6 =	vadd.s32 $0xFFFFFFFF, v6  }
0x81: {  	vm0 =	vgt.s32 v6, $0x0  }
0x82: {  	s23 =	sadd.s32 $0xFFFFFFC0, s20;
	v11 =	vadd.s32 v8, v7;
	v6 =	vnsel vm0, $0x0, v6  }
0x83: {  	vm0 =	vlt.s32 v8, $0x8;
	v8 =	vadd.s32 $0x1, v11;
	v11 =	vor.u32 s23, v1  }
0x84: {  	vm1 =	veq.s32 v9, $0x0;
	v8 =	vnsel vm0, $0x1A020, v8;
	v9 =	vmulhi.u32 $0xF0F0F0F1, v11  }
0x85: {  	v7 =	vsel vm1, v7, v8  }
0x86: {  	[tilespmem:s19+$0xFFFFFFD0] =	vst v7;
	v7 =	vshrl.u32 v9, $0x4  }
0x87: {  	v6 =	vld.idx.msk [tilespmem:v6+s21+$0x0], $0xffff;
	v8 =	vmul.u32 $0xFFFFFFEF, v7;
	_ =	sdelay $0x1  }
0x88: {  	v9 =	vand.u32 $0xFFFFFFF0, v9;
	v8 =	vadd.s32 v11, v8  }
0x89: {  	v5 =	vadd.s32 v2, v5;
	v9 =	vadd.s32 v8, v9  }
0x8a: {  	v5 =	vmul.u32 $0x9, v5;
	v9 =	vadd.s32 $0xFFFFFFFF, v9  }
0x8b: {  	vm0 =	vgt.s32 v9, $0x0  }
0x8c: {  	s23 =	sadd.s32 $0xFFFFFFD0, s20;
	v11 =	vadd.s32 v6, v5;
	v9 =	vnsel vm0, $0x0, v9  }
0x8d: {  	vm0 =	vlt.s32 v6, $0x8;
	v6 =	vadd.s32 $0x1, v11;
	v11 =	vor.u32 s23, v1  }
0x8e: {  	vm1 =	veq.s32 v10, $0x0;
	v6 =	vnsel vm0, $0x1A020, v6;
	v10 =	vmulhi.u32 $0xF0F0F0F1, v11  }
0x8f: {  	v5 =	vsel vm1, v5, v6  }
0x90: {  	[tilespmem:s19+$0xFFFFFFE0] =	vst v5;
	v5 =	vshrl.u32 v10, $0x4  }
0x91: {  	v6 =	vld.idx.msk [tilespmem:v9+s21+$0x0], $0xffff;
	v9 =	vmul.u32 $0xFFFFFFEF, v5;
	_ =	sdelay $0x1  }
0x92: {  	v10 =	vand.u32 $0xFFFFFFF0, v10;
	v9 =	vadd.s32 v11, v9  }
0x93: {  	v7 =	vadd.s32 v2, v7;
	v10 =	vadd.s32 v9, v10  }
0x94: {  	v7 =	vmul.u32 $0x9, v7;
	v10 =	vadd.s32 $0xFFFFFFFF, v10  }
0x95: {  	vm0 =	vgt.s32 v10, $0x0  }
0x96: {  	s23 =	sadd.s32 $0xFFFFFFE0, s20;
	v11 =	vadd.s32 v6, v7;
	v10 =	vnsel vm0, $0x0, v10  }
0x97: {  	vm0 =	vlt.s32 v6, $0x8;
	v6 =	vadd.s32 $0x1, v11;
	v11 =	vor.u32 s23, v1  }
0x98: {  	vm1 =	veq.s32 v8, $0x0;
	v6 =	vnsel vm0, $0x1A020, v6;
	v8 =	vmulhi.u32 $0xF0F0F0F1, v11  }
0x99: {  	v6 =	vsel vm1, v7, v6  }
0x9a: {  	[tilespmem:s19+$0xFFFFFFF0] =	vst v6;
	v6 =	vshrl.u32 v8, $0x4  }
0x9b: {  	v7 =	vld.idx.msk [tilespmem:v10+s21+$0x0], $0xffff;
	v10 =	vmul.u32 $0xFFFFFFEF, v6;
	_ =	sdelay $0x1  }
0x9c: {  	v8 =	vand.u32 $0xFFFFFFF0, v8;
	v10 =	vadd.s32 v11, v10  }
0x9d: {  	v5 =	vadd.s32 v2, v5;
	v8 =	vadd.s32 v10, v8  }
0x9e: {  	v5 =	vmul.u32 $0x9, v5;
	v8 =	vadd.s32 $0xFFFFFFFF, v8  }
0x9f: {  	vm0 =	vgt.s32 v8, $0x0  }
0xa0: {  	s23 =	sadd.s32 $0xFFFFFFF0, s20;
	v11 =	vadd.s32 v7, v5;
	v8 =	vnsel vm0, $0x0, v8  }
0xa1: {  	vm0 =	vlt.s32 v7, $0x8;
	v7 =	vadd.s32 $0x1, v11;
	v11 =	vor.u32 s23, v1  }
0xa2: {  	vm1 =	veq.s32 v9, $0x0;
	v7 =	vnsel vm0, $0x1A020, v7;
	v9 =	vmulhi.u32 $0xF0F0F0F1, v11  }
0xa3: {  	v5 =	vsel vm1, v5, v7  }
0xa4: {  	v12 =	vshrl.u32 v9, $0x4;
	[tilespmem:s19+$0x0] =	vst v5  }
0xa5: {  	v5 =	vmul.u32 $0xFFFFFFEF, v12;
	v7 =	vld.idx.msk [tilespmem:v8+s21+$0x0], $0xffff;
	_ =	sdelay $0x1  }
0xa6: {  	v8 =	vand.u32 $0xFFFFFFF0, v9;
	v5 =	vadd.s32 v11, v5  }
0xa7: {  	v6 =	vadd.s32 v2, v6;
	v8 =	vadd.s32 v5, v8  }
0xa8: {  	v6 =	vmul.u32 $0x9, v6;
	v8 =	vadd.s32 $0xFFFFFFFF, v8  }
0xa9: {  	vm0 =	vgt.s32 v8, $0x0  }
0xaa: {  	v9 =	vadd.s32 v7, v6;
	v8 =	vnsel vm0, $0x0, v8  }
0xab: {  	vm0 =	vlt.s32 v7, $0x8;
	v7 =	vadd.s32 $0x1, v9;
	v9 =	vor.u32 s20, v1;
	s20 =	smov.u32 s22  }
0xac: {  	vm1 =	veq.s32 v10, $0x0;
	v7 =	vnsel vm0, $0x1A020, v7;
	v10 =	vmulhi.u32 $0xF0F0F0F1, v9  }
0xad: {  	v6 =	vsel vm1, v6, v7  }
0xae: {  	v7 =	vshrl.u32 v10, $0x4;
	[tilespmem:s19+$0x10] =	vst v6  }
0xaf: {  	v6 =	vmul.u32 $0xFFFFFFEF, v7;
	v8 =	vld.idx.msk [tilespmem:v8+s21+$0x0], $0xffff;
	_ =	sdelay $0x1  }
.Ltmp0:
0xb0: {  	v6 =	vadd.s32 v9, v6;
	v9 =	vand.u32 $0xFFFFFFF0, v10;
	(pc) =	sbr.rel @p1 .LBB2_2-.Ltmp0, $4  }
0xb1: {  	v10 =	vadd.s32 v2, v12;
	v11 =	vadd.s32 v6, v9  }
0xb2: {  	v9 =	vmul.u32 $0x9, v10;
	v10 =	vadd.s32 $0xFFFFFFFF, v11  }
0xb3: {  	vm0 =	vgt.s32 v10, $0x0  }
0xb4: {  	s22 =	sadd.s32 $0x80, s22;
	s23 =	sadd.s32 $0xFFFFFF90, s20;
	v11 =	vadd.s32 v8, v9;
	v10 =	vnsel vm0, $0x0, v10  }
0xb5: {  	v12 =	vor.u32 s23, v1  }
0xb6: {  	vm0 =	vlt.s32 v8, $0x8;
	v60 =	vadd.s32 $0x1, v11;
	v61 =	vmulhi.u32 $0xF0F0F0F1, v12  }
0xb7: {  	vm1 =	veq.s32 v5, $0x0;
	v5 =	vnsel vm0, $0x1A020, v60  }
0xb8: {  	v5 =	vsel vm1, v9, v5;
	v62 =	vshrl.u32 v61, $0x4  }
0xb9: {  	[tilespmem:s19+$0x20] =	vst v5;
	v5 =	vmul.u32 $0xFFFFFFEF, v62  }
0xba: {  	v63 =	vld.idx.msk [tilespmem:v10+s21+$0x0], $0xffff  }
0xbb: {  	v15 =	vshll.u32 v62, $0x4;
	v5 =	vadd.s32 v12, v5  }
0xbc: {  	v7 =	vadd.s32 v2, v7;
	v10 =	vadd.s32 v5, v15  }
0xbd: {  	v7 =	vmul.u32 $0x9, v7;
	v10 =	vadd.s32 $0xFFFFFFFF, v10  }
0xbe: {  	s22 =	sadd.s32 $0xFFFFFFA0, s20;
	vm14 =	vgt.s32 v10, $0x0  }
0xbf: {  	v17 =	vor.u32 s22, v1;
	v16 =	vadd.s32 v63, v7;
	v10 =	vnsel vm14, $0x0, v10  }
0xc0: {  	v19 =	vmulhi.u32 $0xF0F0F0F1, v17;
	vm15 =	vlt.s32 v63, $0x8;
	v18 =	vadd.s32 $0x1, v16  }
0xc1: {  	vm4 =	veq.s32 v6, $0x0;
	v6 =	vnsel vm15, $0x1A020, v18  }
0xc2: {  	v6 =	vsel vm4, v7, v6;
	v7 =	vshrl.u32 v19, $0x4  }
0xc3: {  	[tilespmem:s19+$0x30] =	vst v6;
	v6 =	vmul.u32 $0xFFFFFFEF, v7  }
0xc4: {  	v20 =	vld.idx.msk [tilespmem:v10+s21+$0x0], $0xffff  }
0xc5: {  	v21 =	vand.u32 $0xFFFFFFF0, v19;
	v6 =	vadd.s32 v17, v6  }
0xc6: {  	v8 =	vadd.s32 v2, v62;
	v10 =	vadd.s32 v6, v21  }
0xc7: {  	v8 =	vmul.u32 $0x9, v8;
	v10 =	vadd.s32 $0xFFFFFFFF, v10  }
0xc8: {  	s25 =	sadd.s32 $0xFFFFFFB0, s20;
	vm5 =	vgt.s32 v10, $0x0  }
0xc9: {  	v23 =	vor.u32 s25, v1;
	v10 =	vnsel vm5, $0x0, v10;
	v22 =	vadd.s32 v20, v8  }
0xca: {  	v25 =	vmulhi.u32 $0xF0F0F0F1, v23;
	vm6 =	vlt.s32 v20, $0x8;
	v24 =	vadd.s32 $0x1, v22  }
0xcb: {  	vm7 =	veq.s32 v5, $0x0;
	v5 =	vnsel vm6, $0x1A020, v24  }
0xcc: {  	s26 =	sadd.s32 $0x80, s19;
	v26 =	vshrl.u32 v25, $0x4;
	v5 =	vsel vm7, v8, v5  }
0xcd: {  	[tilespmem:s26+$0xFFFFFFC0] =	vst v5;
	v5 =	vmul.u32 $0xFFFFFFEF, v26  }
0xce: {  	v27 =	vld.idx.msk [tilespmem:v10+s21+$0x0], $0xffff  }
0xcf: {  	v28 =	vand.u32 $0xFFFFFFF0, v25;
	v5 =	vadd.s32 v23, v5  }
0xd0: {  	v7 =	vadd.s32 v2, v7;
	v10 =	vadd.s32 v5, v28  }
0xd1: {  	v7 =	vmul.u32 $0x9, v7;
	v10 =	vadd.s32 $0xFFFFFFFF, v10  }
0xd2: {  	s28 =	sadd.s32 $0xFFFFFFC0, s20;
	vm8 =	vgt.s32 v10, $0x0  }
0xd3: {  	v30 =	vor.u32 s28, v1;
	v29 =	vadd.s32 v27, v7;
	v10 =	vnsel vm8, $0x0, v10  }
0xd4: {  	v32 =	vmulhi.u32 $0xF0F0F0F1, v30;
	vm9 =	vlt.s32 v27, $0x8;
	v31 =	vadd.s32 $0x1, v29  }
0xd5: {  	vm10 =	veq.s32 v6, $0x0;
	v6 =	vnsel vm9, $0x1A020, v31  }
0xd6: {  	v6 =	vsel vm10, v7, v6;
	v7 =	vshrl.u32 v32, $0x4  }
0xd7: {  	[tilespmem:s26+$0xFFFFFFD0] =	vst v6;
	v6 =	vmul.u32 $0xFFFFFFEF, v7  }
0xd8: {  	v33 =	vld.idx.msk [tilespmem:v10+s21+$0x0], $0xffff  }
0xd9: {  	v34 =	vand.u32 $0xFFFFFFF0, v32;
	v6 =	vadd.s32 v30, v6  }
0xda: {  	v8 =	vadd.s32 v2, v26;
	v10 =	vadd.s32 v6, v34  }
0xdb: {  	v8 =	vmul.u32 $0x9, v8;
	v10 =	vadd.s32 $0xFFFFFFFF, v10  }
0xdc: {  	s29 =	sadd.s32 $0xFFFFFFD0, s20;
	vm11 =	vgt.s32 v10, $0x0  }
0xdd: {  	v36 =	vor.u32 s29, v1;
	v35 =	vadd.s32 v33, v8;
	v10 =	vnsel vm11, $0x0, v10  }
0xde: {  	v38 =	vmulhi.u32 $0xF0F0F0F1, v36;
	vm12 =	vlt.s32 v33, $0x8;
	v37 =	vadd.s32 $0x1, v35  }
0xdf: {  	vm13 =	veq.s32 v5, $0x0;
	v5 =	vnsel vm12, $0x1A020, v37  }
0xe0: {  	v39 =	vshrl.u32 v38, $0x4;
	v5 =	vsel vm13, v8, v5  }
0xe1: {  	[tilespmem:s26+$0xFFFFFFE0] =	vst v5;
	v5 =	vmul.u32 $0xFFFFFFEF, v39  }
0xe2: {  	v40 =	vld.idx.msk [tilespmem:v10+s21+$0x0], $0xffff  }
0xe3: {  	v41 =	vand.u32 $0xFFFFFFF0, v38;
	v5 =	vadd.s32 v36, v5  }
0xe4: {  	v7 =	vadd.s32 v2, v7;
	v10 =	vadd.s32 v5, v41  }
0xe5: {  	v7 =	vmul.u32 $0x9, v7;
	v10 =	vadd.s32 $0xFFFFFFFF, v10  }
0xe6: {  	s30 =	sadd.s32 $0xFFFFFFE0, s20;
	vm14 =	vgt.s32 v10, $0x0  }
0xe7: {  	v43 =	vor.u32 s30, v1;
	v42 =	vadd.s32 v40, v7;
	v10 =	vnsel vm14, $0x0, v10  }
0xe8: {  	v45 =	vmulhi.u32 $0xF0F0F0F1, v43;
	vm15 =	vlt.s32 v40, $0x8;
	v44 =	vadd.s32 $0x1, v42  }
0xe9: {  	vm4 =	veq.s32 v6, $0x0;
	v6 =	vnsel vm15, $0x1A020, v44  }
0xea: {  	v6 =	vsel vm4, v7, v6;
	v7 =	vshrl.u32 v45, $0x4  }
0xeb: {  	[tilespmem:s26+$0xFFFFFFF0] =	vst v6;
	v6 =	vmul.u32 $0xFFFFFFEF, v7  }
0xec: {  	v46 =	vld.idx.msk [tilespmem:v10+s21+$0x0], $0xffff  }
0xed: {  	v47 =	vand.u32 $0xFFFFFFF0, v45;
	v6 =	vadd.s32 v43, v6  }
0xee: {  	v8 =	vadd.s32 v2, v39;
	v10 =	vadd.s32 v6, v47  }
0xef: {  	v8 =	vmul.u32 $0x9, v8;
	v10 =	vadd.s32 $0xFFFFFFFF, v10  }
0xf0: {  	s31 =	sadd.s32 $0xFFFFFFF0, s20;
	vm5 =	vgt.s32 v10, $0x0  }
0xf1: {  	v49 =	vor.u32 s31, v1;
	v48 =	vadd.s32 v46, v8;
	v10 =	vnsel vm5, $0x0, v10  }
0xf2: {  	v51 =	vmulhi.u32 $0xF0F0F0F1, v49;
	vm6 =	vlt.s32 v46, $0x8;
	v50 =	vadd.s32 $0x1, v48  }
0xf3: {  	vm7 =	veq.s32 v5, $0x0;
	v5 =	vnsel vm6, $0x1A020, v50  }
0xf4: {  	v52 =	vshrl.u32 v51, $0x4;
	v5 =	vsel vm7, v8, v5  }
0xf5: {  	[tilespmem:s26+$0x0] =	vst v5;
	v5 =	vmul.u32 $0xFFFFFFEF, v52  }
0xf6: {  	v53 =	vld.idx.msk [tilespmem:v10+s21+$0x0], $0xffff  }
0xf7: {  	v54 =	vand.u32 $0xFFFFFFF0, v51;
	v5 =	vadd.s32 v49, v5  }
0xf8: {  	v7 =	vadd.s32 v2, v7;
	v10 =	vadd.s32 v5, v54  }
0xf9: {  	v7 =	vmul.u32 $0x9, v7;
	v10 =	vadd.s32 $0xFFFFFFFF, v10  }
0xfa: {  	vm8 =	vgt.s32 v10, $0x0  }
0xfb: {  	v56 =	vor.u32 s20, v1;
	v55 =	vadd.s32 v53, v7;
	v10 =	vnsel vm8, $0x0, v10  }
0xfc: {  	v58 =	vmulhi.u32 $0xF0F0F0F1, v56;
	vm9 =	vlt.s32 v53, $0x8;
	v57 =	vadd.s32 $0x1, v55  }
0xfd: {  	vm10 =	veq.s32 v6, $0x0;
	v6 =	vnsel vm9, $0x1A020, v57  }
0xfe: {  	v6 =	vsel vm10, v7, v6;
	v7 =	vshrl.u32 v58, $0x4  }
0xff: {  	[tilespmem:s26+$0x10] =	vst v6;
	v6 =	vmul.u32 $0xFFFFFFEF, v7  }
0x100: {  	v59 =	vld.idx.msk [tilespmem:v10+s21+$0x0], $0xffff  }
0x101: {  	v60 =	vand.u32 $0xFFFFFFF0, v58;
	v6 =	vadd.s32 v56, v6  }
0x102: {  	v8 =	vadd.s32 v2, v52;
	v10 =	vadd.s32 v6, v60  }
0x103: {  	v8 =	vmul.u32 $0x9, v8;
	v10 =	vadd.s32 $0xFFFFFFFF, v10  }
0x104: {  	vm11 =	vgt.s32 v10, $0x0  }
0x105: {  	v61 =	vadd.s32 v59, v8;
	v10 =	vnsel vm11, $0x0, v10  }
0x106: {  	vm12 =	vlt.s32 v59, $0x8;
	v62 =	vadd.s32 $0x1, v61  }
0x107: {  	vm13 =	veq.s32 v5, $0x0;
	v5 =	vnsel vm12, $0x1A020, v62  }
0x108: {  	v5 =	vsel vm13, v8, v5  }
0x109: {  	[tilespmem:s26+$0x20] =	vst v5  }
0x10a: {  	v5 =	vld.idx.msk [tilespmem:v10+s21+$0x0], $0xffff;
	_ =	sdelay $0x1  }
0x10b: {  	v7 =	vadd.s32 v2, v7  }
0x10c: {  	v7 =	vmul.u32 $0x9, v7  }
0x10d: {  	p2 =	por $0x1, $0x1  }
.Ltmp1:
0x10e: {  	v63 =	vadd.s32 v5, v7;
	(pc) =	sbr.rel @!p2 .LBB2_6-.Ltmp1, $4  }
0x10f: {  	vm14 =	vlt.s32 v5, $0x8;
	v5 =	vadd.s32 $0x1, v63  }
0x110: {  	vm15 =	veq.s32 v6, $0x0;
	v5 =	vnsel vm14, $0x1A020, v5  }
0x111: {  	v5 =	vsel vm15, v7, v5  }
0x112: {  	p1 =	por $0x0, $0x0;
	s19 =	smov.u32 s9;
	s21 =	simm.s32 $0x0;
	[tilespmem:s26+$0x30] =	vst v5  }
0x113: {  	s19 =	simm.s32 $0x1000  }
0x114: {  	[tilespmem:s14], [sflag:$0x1] =	stream.indirect.gather [hbm4b:s3+s13], $0x80, s19, s13, $0xb8;
	[tilespmem:$0x7C80] =	vst v63  }
0x115: {  	p2 =	por $0x1, $0x1;
	_ =	swait.ge [sflag:s15], $0x4000  }
.Ltmp2:
0x116: {  	[sflag:s15] =	ssyncset.done $0x0;
	(pc) =	sbr.rel @!p2 .LBB2_6-.Ltmp2, $4  }
0x117: {  	[sflag:s15] =	ssyncadd.s32 $0xFFFFC000  }
0x118: {  	[hbm4b:s9+s2] =	stream.linear.scatter [tilespmem:s14], [sflag:$0x2], $0x4000, $0x38;
	[tilespmem:$0x7C80] =	vst v63  }
0x119: {  	s20 =	simm.s32 $0x400;
	s21 =	simm.s32 $0x80;
	_ =	swait.ge [sflag:s12], $0x4000  }
0x11a: {  	p1 =	por $0x1, $0x1;
	s19 =	sadd.s32 $0x800, s9;
	[sflag:s12] =	ssyncset.done $0x0  }
.LBB2_5:
0x11b: {  	s21 =	sadd.s32 $0x1000, s21  }
0x11c: {  	[sflag:s12] =	ssyncadd.s32 $0xFFFFC000;
	s22 =	smov.u32 s20;
	s23 =	sadd.s32 $0x200, s20  }
0x11d: {  	[tilespmem:s14], [sflag:$0x1] =	stream.indirect.gather [hbm4b:s3+s13], $0x80, s21, s13, $0xb8;
	[tilespmem:$0x7C80] =	vst v63  }
0x11e: {  	p2 =	sne.s32 s20, $0x4200;
	_ =	swait.ge [sflag:s15], $0x4000  }
.Ltmp3:
0x11f: {  	[sflag:s15] =	ssyncset.done $0x0;
	(pc) =	sbr.rel @p2 .LBB2_5-.Ltmp3, $4  }
0x120: {  	[sflag:s15] =	ssyncadd.s32 $0xFFFFC000  }
0x121: {  	[hbm4b:s19+s2] =	stream.linear.scatter [tilespmem:s14], [sflag:$0x2], $0x4000, $0x38;
	[tilespmem:$0x7C80] =	vst v63  }
0x122: {  	s21 =	sshra.s32 s22, $0x2;
	_ =	swait.ge [sflag:s12], $0x4000  }
0x123: {  	s20 =	smov.u32 s23;
	s19 =	sadd.s32 $0x800, s19;
	[sflag:s12] =	ssyncset.done $0x0  }
.LBB2_6:
0x124: {  	s20 =	sadd.s32 $0x1000, s21;
	[sflag:s12] =	ssyncadd.s32 @p1 $0xFFFFC000;
	s23 =	sadd.s32 $0x0, s10  }
0x125: {  	[tilespmem:s14], [sflag:$0x1] =	stream.indirect.gather [hbm4b:s3+s13], $0x80, s20, s13, $0xb8;
	[tilespmem:$0x7C80] =	vst v63  }
0x126: {  	v5 =	vor.u32 s23, v1;
	_ =	swait.ge [sflag:s15], $0x4000  }
0x127: {  	v6 =	vmulhi.u32 $0x3FF801, v5;
	[sflag:s15] =	ssyncset.done $0x0  }
0x128: {  	[sflag:s15] =	ssyncadd.s32 $0xFFFFC000  }
0x129: {  	v6 =	vshrl.u32 v6, $0x1;
	[hbm4b:s19+s2] =	stream.linear.scatter [tilespmem:s14], [sflag:$0x2], $0x4000, $0x38;
	[tilespmem:$0x7C80] =	vst v63  }
0x12a: {  	v7 =	vmul.u32 $0xFFFFF7FF, v6;
	_ =	swait.ge [sflag:s12], $0x4000  }
0x12b: {  	[sflag:s12] =	ssyncset.done $0x0  }
0x12c: {  	s24 =	simm.s32 $0x0;
	v5 =	vadd.s32 v5, v7;
	[sflag:s12] =	ssyncadd.s32 $0xFFFFC000  }
0x12d: {  	v7 =	vadd.s32 $0xFFFFFFFF, v5;
	[tilespmem:s16], [sflag:$0x2] =	stream.linear.gather [hbm4b:s7+s24], $0x800, $0x38;
	[tilespmem:$0x7C80] =	vst v63  }
0x12e: {  	v8 =	vsub.s32 v6, v0;
	vm0 =	vgt.s32 v7, $0x0;
	_ =	swait.ge [sflag:s12], $0x800  }
0x12f: {  	s25 =	sadd.s32 $0x10, s23;
	v8 =	vshll.u32 v8, $0xB;
	v7 =	vnsel vm0, $0x0, v7;
	[sflag:s12] =	ssyncset.done $0x0  }
0x130: {  	v7 =	vadd.s32 v8, v7;
	v8 =	vor.u32 s25, v1;
	[sflag:s12] =	ssyncadd.s32 $0xFFFFF800  }
0x131: {  	v9 =	vmulhi.u32 $0x3FF801, v8;
	[tilespmem:s17], [sflag:$0x2] =	stream.linear.gather [hbm4b:s8+s24], $0x800, $0x38;
	[tilespmem:$0x7C80] =	vst v63  }
0x132: {  	_ =	swait.ge [sflag:s12], $0x800  }
0x133: {  	v9 =	vshrl.u32 v9, $0x1;
	[sflag:s12] =	ssyncset.done $0x0  }
0x134: {  	v10 =	vmul.u32 $0xFFFFF7FF, v9;
	[sflag:s12] =	ssyncadd.s32 $0xFFFFF800  }
0x135: {  	v7 =	vld.idx.msk [tilespmem:v7+s16+$0x0], $0xffff  }
0x136: {  	v8 =	vadd.s32 v8, v10  }
0x137: {  	v10 =	vadd.s32 $0xFFFFFFFF, v8  }
0x138: {  	v6 =	vmul.u32 $0x401, v6;
	v11 =	vsub.s32 v9, v0;
	vm10 =	vgt.s32 v10, $0x0  }
0x139: {  	s26 =	sadd.s32 $0x20, s23;
	v11 =	vshll.u32 v11, $0xB;
	v10 =	vnsel vm10, $0x0, v10  }
0x13a: {  	v10 =	vadd.s32 v11, v10;
	v11 =	vor.u32 s26, v1;
	v12 =	vadd.s32 v7, v6  }
0x13b: {  	vm11 =	vlt.s32 v7, $0x400;
	v7 =	vadd.s32 $0x12001, v12;
	v12 =	vmulhi.u32 $0x3FF801, v11  }
0x13c: {  	vm1 =	veq.s32 v5, $0x0;
	v6 =	vadd.s32 $0x12000, v6;
	v5 =	vnsel vm11, $0x1A020, v7  }
0x13d: {  	s19 =	simm.s32 $0x3440;
	v5 =	vsel vm1, v6, v5;
	v6 =	vshrl.u32 v12, $0x1  }
0x13e: {  	[tilespmem:s19+$0xFFFFFFC0] =	vst v5;
	v5 =	vmul.u32 $0xFFFFF7FF, v6  }
0x13f: {  	v7 =	vld.idx.msk [tilespmem:v10+s16+$0x0], $0xffff  }
0x140: {  	v5 =	vadd.s32 v11, v5  }
0x141: {  	v10 =	vadd.s32 $0xFFFFFFFF, v5  }
0x142: {  	v9 =	vmul.u32 $0x401, v9;
	v11 =	vsub.s32 v6, v0;
	vm12 =	vgt.s32 v10, $0x0  }
0x143: {  	s28 =	sadd.s32 $0x30, s23;
	v11 =	vshll.u32 v11, $0xB;
	v10 =	vnsel vm12, $0x0, v10  }
0x144: {  	v12 =	vadd.s32 v7, v9;
	v10 =	vadd.s32 v11, v10;
	v11 =	vor.u32 s28, v1  }
0x145: {  	vm13 =	vlt.s32 v7, $0x400;
	v7 =	vadd.s32 $0x12001, v12;
	v12 =	vmulhi.u32 $0x3FF801, v11  }
0x146: {  	vm14 =	veq.s32 v8, $0x0;
	v9 =	vadd.s32 $0x12000, v9;
	v7 =	vnsel vm13, $0x1A020, v7  }
0x147: {  	v7 =	vsel vm14, v9, v7;
	v8 =	vshrl.u32 v12, $0x1  }
0x148: {  	[tilespmem:s19+$0xFFFFFFD0] =	vst v7;
	v7 =	vmul.u32 $0xFFFFF7FF, v8  }
0x149: {  	v9 =	vld.idx.msk [tilespmem:v10+s16+$0x0], $0xffff  }
0x14a: {  	v7 =	vadd.s32 v11, v7  }
0x14b: {  	v10 =	vadd.s32 $0xFFFFFFFF, v7  }
0x14c: {  	v6 =	vmul.u32 $0x401, v6;
	v11 =	vsub.s32 v8, v0;
	vm15 =	vgt.s32 v10, $0x0  }
0x14d: {  	s29 =	sadd.s32 $0x40, s23;
	v11 =	vshll.u32 v11, $0xB;
	v10 =	vnsel vm15, $0x0, v10  }
0x14e: {  	v12 =	vadd.s32 v9, v6;
	v10 =	vadd.s32 v11, v10;
	v11 =	vor.u32 s29, v1  }
0x14f: {  	vm4 =	vlt.s32 v9, $0x400;
	v9 =	vadd.s32 $0x12001, v12;
	v12 =	vmulhi.u32 $0x3FF801, v11  }
0x150: {  	vm5 =	veq.s32 v5, $0x0;
	v6 =	vadd.s32 $0x12000, v6;
	v5 =	vnsel vm4, $0x1A020, v9  }
0x151: {  	v5 =	vsel vm5, v6, v5;
	v6 =	vshrl.u32 v12, $0x1  }
0x152: {  	[tilespmem:s19+$0xFFFFFFE0] =	vst v5;
	v5 =	vmul.u32 $0xFFFFF7FF, v6  }
0x153: {  	v9 =	vld.idx.msk [tilespmem:v10+s16+$0x0], $0xffff  }
0x154: {  	v5 =	vadd.s32 v11, v5  }
0x155: {  	v10 =	vadd.s32 $0xFFFFFFFF, v5  }
0x156: {  	v8 =	vmul.u32 $0x401, v8;
	v11 =	vsub.s32 v6, v0;
	vm6 =	vgt.s32 v10, $0x0  }
0x157: {  	s30 =	sadd.s32 $0x50, s23;
	v11 =	vshll.u32 v11, $0xB;
	v10 =	vnsel vm6, $0x0, v10  }
0x158: {  	v12 =	vadd.s32 v9, v8;
	v10 =	vadd.s32 v11, v10;
	v11 =	vor.u32 s30, v1  }
0x159: {  	vm7 =	vlt.s32 v9, $0x400;
	v9 =	vadd.s32 $0x12001, v12;
	v12 =	vmulhi.u32 $0x3FF801, v11  }
0x15a: {  	vm8 =	veq.s32 v7, $0x0;
	v8 =	vadd.s32 $0x12000, v8;
	v7 =	vnsel vm7, $0x1A020, v9  }
0x15b: {  	v7 =	vsel vm8, v8, v7;
	v8 =	vshrl.u32 v12, $0x1  }
0x15c: {  	[tilespmem:s19+$0xFFFFFFF0] =	vst v7;
	v7 =	vmul.u32 $0xFFFFF7FF, v8  }
0x15d: {  	v9 =	vld.idx.msk [tilespmem:v10+s16+$0x0], $0xffff  }
0x15e: {  	v7 =	vadd.s32 v11, v7  }
0x15f: {  	v10 =	vadd.s32 $0xFFFFFFFF, v7  }
0x160: {  	v6 =	vmul.u32 $0x401, v6;
	v11 =	vsub.s32 v8, v0;
	vm9 =	vgt.s32 v10, $0x0  }
0x161: {  	s31 =	sadd.s32 $0x60, s23;
	v11 =	vshll.u32 v11, $0xB;
	v10 =	vnsel vm9, $0x0, v10  }
0x162: {  	v12 =	vadd.s32 v9, v6;
	v10 =	vadd.s32 v11, v10;
	v11 =	vor.u32 s31, v1  }
0x163: {  	vm10 =	vlt.s32 v9, $0x400;
	v9 =	vadd.s32 $0x12001, v12;
	v12 =	vmulhi.u32 $0x3FF801, v11  }
0x164: {  	vm11 =	veq.s32 v5, $0x0;
	v6 =	vadd.s32 $0x12000, v6;
	v5 =	vnsel vm10, $0x1A020, v9  }
0x165: {  	v5 =	vsel vm11, v6, v5;
	v12 =	vshrl.u32 v12, $0x1  }
0x166: {  	[tilespmem:s19+$0x0] =	vst v5;
	v5 =	vmul.u32 $0xFFFFF7FF, v12  }
0x167: {  	v6 =	vld.idx.msk [tilespmem:v10+s16+$0x0], $0xffff  }
0x168: {  	v5 =	vadd.s32 v11, v5  }
0x169: {  	v9 =	vadd.s32 $0xFFFFFFFF, v5  }
0x16a: {  	v8 =	vmul.u32 $0x401, v8;
	v10 =	vsub.s32 v12, v0;
	vm12 =	vgt.s32 v9, $0x0  }
0x16b: {  	s20 =	sadd.s32 $0x70, s23;
	v10 =	vshll.u32 v10, $0xB;
	v9 =	vnsel vm12, $0x0, v9  }
0x16c: {  	v11 =	vadd.s32 v6, v8;
	v9 =	vadd.s32 v10, v9;
	v10 =	vor.u32 s20, v1  }
0x16d: {  	vm13 =	vlt.s32 v6, $0x400;
	v6 =	vadd.s32 $0x12001, v11;
	v11 =	vmulhi.u32 $0x3FF801, v10  }
0x16e: {  	vm14 =	veq.s32 v7, $0x0;
	v8 =	vadd.s32 $0x12000, v8;
	v6 =	vnsel vm13, $0x1A020, v6  }
0x16f: {  	v6 =	vsel vm14, v8, v6;
	v7 =	vshrl.u32 v11, $0x1  }
0x170: {  	[tilespmem:s19+$0x10] =	vst v6;
	v6 =	vmul.u32 $0xFFFFF7FF, v7  }
0x171: {  	v9 =	vld.idx.msk [tilespmem:v9+s16+$0x0], $0xffff  }
0x172: {  	v6 =	vadd.s32 v10, v6  }
0x173: {  	v8 =	vadd.s32 $0xFFFFFFFF, v6  }
0x174: {  	v11 =	vsub.s32 v7, v0;
	v10 =	vmul.u32 $0x401, v12;
	vm15 =	vgt.s32 v8, $0x0  }
0x175: {  	s20 =	sadd.s32 $0x80, s10;
	v11 =	vshll.u32 v11, $0xB;
	v13 =	vnsel vm15, $0x0, v8  }
0x176: {  	s21 =	simm.s32 $0x100;
	v8 =	vor.u32 s20, v1;
	v12 =	vadd.s32 v9, v10;
	v11 =	vadd.s32 v11, v13  }
.LBB2_7:
0x177: {  	p1 =	sne.s32 s21, $0x780;
	v13 =	vmulhi.u32 $0x3FF801, v8;
	vm0 =	vlt.s32 v9, $0x400;
	v9 =	vadd.s32 $0x12001, v12  }
0x178: {  	v10 =	vadd.s32 $0x12000, v10;
	vm1 =	veq.s32 v5, $0x0;
	v5 =	vnsel vm0, $0x1A020, v9  }
0x179: {  	v5 =	vsel vm1, v10, v5  }
0x17a: {  	v9 =	vshrl.u32 v13, $0x1;
	[tilespmem:s19+$0x20] =	vst v5  }
0x17b: {  	v5 =	vmul.u32 $0xFFFFF7FF, v9;
	v10 =	vld.idx.msk [tilespmem:v11+s16+$0x0], $0xffff;
	_ =	sdelay $0x1  }
0x17c: {  	v5 =	vadd.s32 v8, v5  }
0x17d: {  	v8 =	vadd.s32 $0xFFFFFFFF, v5  }
0x17e: {  	v7 =	vmul.u32 $0x401, v7;
	v11 =	vsub.s32 v9, v0;
	vm0 =	vgt.s32 v8, $0x0  }
0x17f: {  	s22 =	sadd.s32 $0x10, s20;
	v11 =	vshll.u32 v11, $0xB;
	v8 =	vnsel vm0, $0x0, v8  }
0x180: {  	v8 =	vadd.s32 v11, v8;
	v11 =	vor.u32 s22, v1;
	v12 =	vadd.s32 v10, v7  }
0x181: {  	vm0 =	vlt.s32 v10, $0x400;
	v13 =	vmulhi.u32 $0x3FF801, v11;
	v10 =	vadd.s32 $0x12001, v12  }
0x182: {  	vm1 =	veq.s32 v6, $0x0;
	v7 =	vadd.s32 $0x12000, v7;
	v6 =	vnsel vm0, $0x1A020, v10  }
0x183: {  	v6 =	vsel vm1, v7, v6  }
0x184: {  	v7 =	vshrl.u32 v13, $0x1;
	[tilespmem:s19+$0x30] =	vst v6  }
0x185: {  	v6 =	vld.idx.msk [tilespmem:v8+s16+$0x0], $0xffff;
	v8 =	vmul.u32 $0xFFFFF7FF, v7;
	_ =	sdelay $0x1  }
0x186: {  	v8 =	vadd.s32 v11, v8  }
0x187: {  	v10 =	vadd.s32 $0xFFFFFFFF, v8  }
0x188: {  	v9 =	vmul.u32 $0x401, v9;
	v11 =	vsub.s32 v7, v0;
	vm0 =	vgt.s32 v10, $0x0  }
0x189: {  	s22 =	sadd.s32 $0x20, s20;
	v11 =	vshll.u32 v11, $0xB;
	v10 =	vnsel vm0, $0x0, v10  }
0x18a: {  	v12 =	vadd.s32 v6, v9;
	v10 =	vadd.s32 v11, v10;
	v11 =	vor.u32 s22, v1  }
0x18b: {  	vm0 =	vlt.s32 v6, $0x400;
	v6 =	vadd.s32 $0x12001, v12;
	v12 =	vmulhi.u32 $0x3FF801, v11  }
0x18c: {  	vm1 =	veq.s32 v5, $0x0;
	v9 =	vadd.s32 $0x12000, v9;
	v5 =	vnsel vm0, $0x1A020, v6  }
0x18d: {  	s19 =	sadd.s32 $0x80, s19;
	v5 =	vsel vm1, v9, v5  }
0x18e: {  	[tilespmem:s19+$0xFFFFFFC0] =	vst v5;
	v5 =	vshrl.u32 v12, $0x1  }
0x18f: {  	v6 =	vld.idx.msk [tilespmem:v10+s16+$0x0], $0xffff;
	v9 =	vmul.u32 $0xFFFFF7FF, v5;
	_ =	sdelay $0x1  }
0x190: {  	v9 =	vadd.s32 v11, v9  }
0x191: {  	v10 =	vadd.s32 $0xFFFFFFFF, v9  }
0x192: {  	v7 =	vmul.u32 $0x401, v7;
	v11 =	vsub.s32 v5, v0;
	vm0 =	vgt.s32 v10, $0x0  }
0x193: {  	s22 =	sadd.s32 $0x30, s20;
	v11 =	vshll.u32 v11, $0xB;
	v10 =	vnsel vm0, $0x0, v10  }
0x194: {  	v12 =	vadd.s32 v6, v7;
	v10 =	vadd.s32 v11, v10;
	v11 =	vor.u32 s22, v1  }
0x195: {  	vm0 =	vlt.s32 v6, $0x400;
	v6 =	vadd.s32 $0x12001, v12;
	v12 =	vmulhi.u32 $0x3FF801, v11  }
0x196: {  	vm1 =	veq.s32 v8, $0x0;
	v7 =	vadd.s32 $0x12000, v7;
	v6 =	vnsel vm0, $0x1A020, v6  }
0x197: {  	v6 =	vsel vm1, v7, v6  }
0x198: {  	[tilespmem:s19+$0xFFFFFFD0] =	vst v6;
	v6 =	vshrl.u32 v12, $0x1  }
0x199: {  	v7 =	vld.idx.msk [tilespmem:v10+s16+$0x0], $0xffff;
	v8 =	vmul.u32 $0xFFFFF7FF, v6;
	_ =	sdelay $0x1  }
0x19a: {  	v8 =	vadd.s32 v11, v8  }
0x19b: {  	v10 =	vadd.s32 $0xFFFFFFFF, v8  }
0x19c: {  	v5 =	vmul.u32 $0x401, v5;
	v11 =	vsub.s32 v6, v0;
	vm0 =	vgt.s32 v10, $0x0  }
0x19d: {  	s22 =	sadd.s32 $0x40, s20;
	v11 =	vshll.u32 v11, $0xB;
	v10 =	vnsel vm0, $0x0, v10  }
0x19e: {  	v12 =	vadd.s32 v7, v5;
	v10 =	vadd.s32 v11, v10;
	v11 =	vor.u32 s22, v1  }
0x19f: {  	vm0 =	vlt.s32 v7, $0x400;
	v7 =	vadd.s32 $0x12001, v12;
	v12 =	vmulhi.u32 $0x3FF801, v11  }
0x1a0: {  	vm1 =	veq.s32 v9, $0x0;
	v5 =	vadd.s32 $0x12000, v5;
	v7 =	vnsel vm0, $0x1A020, v7  }
0x1a1: {  	v5 =	vsel vm1, v5, v7  }
0x1a2: {  	[tilespmem:s19+$0xFFFFFFE0] =	vst v5;
	v5 =	vshrl.u32 v12, $0x1  }
0x1a3: {  	v7 =	vld.idx.msk [tilespmem:v10+s16+$0x0], $0xffff;
	v9 =	vmul.u32 $0xFFFFF7FF, v5;
	_ =	sdelay $0x1  }
0x1a4: {  	v9 =	vadd.s32 v11, v9  }
0x1a5: {  	v10 =	vadd.s32 $0xFFFFFFFF, v9  }
0x1a6: {  	v6 =	vmul.u32 $0x401, v6;
	v11 =	vsub.s32 v5, v0;
	vm0 =	vgt.s32 v10, $0x0  }
0x1a7: {  	s22 =	sadd.s32 $0x50, s20;
	v11 =	vshll.u32 v11, $0xB;
	v10 =	vnsel vm0, $0x0, v10  }
0x1a8: {  	v12 =	vadd.s32 v7, v6;
	v10 =	vadd.s32 v11, v10;
	v11 =	vor.u32 s22, v1  }
0x1a9: {  	vm0 =	vlt.s32 v7, $0x400;
	v7 =	vadd.s32 $0x12001, v12;
	v12 =	vmulhi.u32 $0x3FF801, v11  }
0x1aa: {  	vm1 =	veq.s32 v8, $0x0;
	v6 =	vadd.s32 $0x12000, v6;
	v7 =	vnsel vm0, $0x1A020, v7  }
0x1ab: {  	v6 =	vsel vm1, v6, v7  }
0x1ac: {  	[tilespmem:s19+$0xFFFFFFF0] =	vst v6;
	v6 =	vshrl.u32 v12, $0x1  }
0x1ad: {  	v7 =	vld.idx.msk [tilespmem:v10+s16+$0x0], $0xffff;
	v8 =	vmul.u32 $0xFFFFF7FF, v6;
	_ =	sdelay $0x1  }
0x1ae: {  	v8 =	vadd.s32 v11, v8  }
0x1af: {  	v10 =	vadd.s32 $0xFFFFFFFF, v8  }
0x1b0: {  	v5 =	vmul.u32 $0x401, v5;
	v11 =	vsub.s32 v6, v0;
	vm0 =	vgt.s32 v10, $0x0  }
0x1b1: {  	s22 =	sadd.s32 $0x60, s20;
	v11 =	vshll.u32 v11, $0xB;
	v10 =	vnsel vm0, $0x0, v10  }
0x1b2: {  	v12 =	vadd.s32 v7, v5;
	v10 =	vadd.s32 v11, v10;
	v11 =	vor.u32 s22, v1  }
0x1b3: {  	vm0 =	vlt.s32 v7, $0x400;
	v7 =	vadd.s32 $0x12001, v12;
	v12 =	vmulhi.u32 $0x3FF801, v11  }
0x1b4: {  	vm1 =	veq.s32 v9, $0x0;
	v5 =	vadd.s32 $0x12000, v5;
	v7 =	vnsel vm0, $0x1A020, v7  }
0x1b5: {  	v5 =	vsel vm1, v5, v7  }
0x1b6: {  	v12 =	vshrl.u32 v12, $0x1;
	[tilespmem:s19+$0x0] =	vst v5  }
0x1b7: {  	v5 =	vmul.u32 $0xFFFFF7FF, v12;
	v7 =	vld.idx.msk [tilespmem:v10+s16+$0x0], $0xffff;
	_ =	sdelay $0x1  }
0x1b8: {  	v5 =	vadd.s32 v11, v5  }
0x1b9: {  	v9 =	vadd.s32 $0xFFFFFFFF, v5  }
0x1ba: {  	v6 =	vmul.u32 $0x401, v6;
	v10 =	vsub.s32 v12, v0;
	vm0 =	vgt.s32 v9, $0x0  }
0x1bb: {  	s20 =	sadd.s32 $0x70, s20;
	v10 =	vshll.u32 v10, $0xB;
	v9 =	vnsel vm0, $0x0, v9  }
0x1bc: {  	v11 =	vadd.s32 v7, v6;
	v9 =	vadd.s32 v10, v9;
	v10 =	vor.u32 s20, v1  }
0x1bd: {  	vm0 =	vlt.s32 v7, $0x400;
	v7 =	vadd.s32 $0x12001, v11;
	v11 =	vmulhi.u32 $0x3FF801, v10  }
0x1be: {  	vm1 =	veq.s32 v8, $0x0;
	v6 =	vadd.s32 $0x12000, v6;
	v7 =	vnsel vm0, $0x1A020, v7  }
0x1bf: {  	v6 =	vsel vm1, v6, v7  }
0x1c0: {  	v7 =	vshrl.u32 v11, $0x1;
	[tilespmem:s19+$0x10] =	vst v6  }
0x1c1: {  	v6 =	vmul.u32 $0xFFFFF7FF, v7;
	v9 =	vld.idx.msk [tilespmem:v9+s16+$0x0], $0xffff;
	_ =	sdelay $0x1  }
.Ltmp4:
0x1c2: {  	v6 =	vadd.s32 v10, v6;
	(pc) =	sbr.rel @p1 .LBB2_7-.Ltmp4, $4  }
0x1c3: {  	v8 =	vadd.s32 $0xFFFFFFFF, v6  }
0x1c4: {  	v11 =	vsub.s32 v7, v0;
	v10 =	vmul.u32 $0x401, v12;
	vm0 =	vgt.s32 v8, $0x0  }
0x1c5: {  	s20 =	sadd.s32 s21, s10;
	v11 =	vshll.u32 v11, $0xB;
	v13 =	vnsel vm0, $0x0, v8  }
0x1c6: {  	s21 =	sadd.s32 $0x80, s21;
	v8 =	vor.u32 s20, v1;
	v12 =	vadd.s32 v9, v10;
	v11 =	vadd.s32 v11, v13  }
0x1c7: {  	v13 =	vmulhi.u32 $0x3FF801, v8;
	vm0 =	vlt.s32 v9, $0x400;
	v57 =	vadd.s32 $0x12001, v12  }
0x1c8: {  	v10 =	vadd.s32 $0x12000, v10;
	vm1 =	veq.s32 v5, $0x0;
	v5 =	vnsel vm0, $0x1A020, v57  }
0x1c9: {  	v5 =	vsel vm1, v10, v5;
	v58 =	vshrl.u32 v13, $0x1  }
0x1ca: {  	[tilespmem:s19+$0x20] =	vst v5;
	v5 =	vmul.u32 $0xFFFFF7FF, v58  }
0x1cb: {  	v59 =	vld.idx.msk [tilespmem:v11+s16+$0x0], $0xffff  }
0x1cc: {  	v5 =	vadd.s32 v8, v5  }
0x1cd: {  	v8 =	vadd.s32 $0xFFFFFFFF, v5  }
0x1ce: {  	v7 =	vmul.u32 $0x401, v7;
	v60 =	vsub.s32 v58, v0;
	vm14 =	vgt.s32 v8, $0x0  }
0x1cf: {  	s21 =	sadd.s32 $0x10, s20;
	v11 =	vshll.u32 v60, $0xB;
	v8 =	vnsel vm14, $0x0, v8  }
0x1d0: {  	v61 =	vor.u32 s21, v1;
	v8 =	vadd.s32 v11, v8;
	v62 =	vadd.s32 v59, v7  }
0x1d1: {  	v63 =	vmulhi.u32 $0x3FF801, v61;
	vm15 =	vlt.s32 v59, $0x400;
	v12 =	vadd.s32 $0x12001, v62  }
0x1d2: {  	vm4 =	veq.s32 v6, $0x0;
	v7 =	vadd.s32 $0x12000, v7;
	v6 =	vnsel vm15, $0x1A020, v12  }
0x1d3: {  	v6 =	vsel vm4, v7, v6;
	v7 =	vshrl.u32 v63, $0x1  }
0x1d4: {  	[tilespmem:s19+$0x30] =	vst v6;
	v6 =	vmul.u32 $0xFFFFF7FF, v7  }
0x1d5: {  	v8 =	vld.idx.msk [tilespmem:v8+s16+$0x0], $0xffff  }
0x1d6: {  	v6 =	vadd.s32 v61, v6  }
0x1d7: {  	v14 =	vadd.s32 $0xFFFFFFFF, v6  }
0x1d8: {  	v9 =	vmul.u32 $0x401, v58;
	v15 =	vsub.s32 v7, v0;
	vm5 =	vgt.s32 v14, $0x0  }
0x1d9: {  	s23 =	sadd.s32 $0x20, s20;
	v11 =	vshll.u32 v15, $0xB;
	v10 =	vnsel vm5, $0x0, v14  }
0x1da: {  	v17 =	vor.u32 s23, v1;
	v16 =	vadd.s32 v8, v9;
	v10 =	vadd.s32 v11, v10  }
0x1db: {  	v19 =	vmulhi.u32 $0x3FF801, v17;
	vm6 =	vlt.s32 v8, $0x400;
	v18 =	vadd.s32 $0x12001, v16  }
0x1dc: {  	vm7 =	veq.s32 v5, $0x0;
	v9 =	vadd.s32 $0x12000, v9;
	v5 =	vnsel vm6, $0x1A020, v18  }
0x1dd: {  	s24 =	sadd.s32 $0x80, s19;
	v20 =	vshrl.u32 v19, $0x1;
	v5 =	vsel vm7, v9, v5  }
0x1de: {  	[tilespmem:s24+$0xFFFFFFC0] =	vst v5;
	v5 =	vmul.u32 $0xFFFFF7FF, v20  }
0x1df: {  	v21 =	vld.idx.msk [tilespmem:v10+s16+$0x0], $0xffff  }
0x1e0: {  	v5 =	vadd.s32 v17, v5  }
0x1e1: {  	v22 =	vadd.s32 $0xFFFFFFFF, v5  }
0x1e2: {  	v23 =	vsub.s32 v20, v0;
	v7 =	vmul.u32 $0x401, v7;
	vm8 =	vgt.s32 v22, $0x0  }
0x1e3: {  	s25 =	sadd.s32 $0x30, s20;
	v11 =	vshll.u32 v23, $0xB;
	v10 =	vnsel vm8, $0x0, v22  }
0x1e4: {  	v25 =	vor.u32 s25, v1;
	v24 =	vadd.s32 v21, v7;
	v10 =	vadd.s32 v11, v10  }
0x1e5: {  	v27 =	vmulhi.u32 $0x3FF801, v25;
	vm9 =	vlt.s32 v21, $0x400;
	v26 =	vadd.s32 $0x12001, v24  }
0x1e6: {  	vm10 =	veq.s32 v6, $0x0;
	v7 =	vadd.s32 $0x12000, v7;
	v6 =	vnsel vm9, $0x1A020, v26  }
0x1e7: {  	v6 =	vsel vm10, v7, v6;
	v7 =	vshrl.u32 v27, $0x1  }
0x1e8: {  	[tilespmem:s24+$0xFFFFFFD0] =	vst v6;
	v6 =	vmul.u32 $0xFFFFF7FF, v7  }
0x1e9: {  	v28 =	vld.idx.msk [tilespmem:v10+s16+$0x0], $0xffff  }
0x1ea: {  	v6 =	vadd.s32 v25, v6  }
0x1eb: {  	v29 =	vadd.s32 $0xFFFFFFFF, v6  }
0x1ec: {  	v8 =	vmul.u32 $0x401, v20;
	v30 =	vsub.s32 v7, v0;
	vm11 =	vgt.s32 v29, $0x0  }
0x1ed: {  	s26 =	sadd.s32 $0x40, s20;
	v11 =	vshll.u32 v30, $0xB;
	v10 =	vnsel vm11, $0x0, v29  }
0x1ee: {  	v32 =	vor.u32 s26, v1;
	v31 =	vadd.s32 v28, v8;
	v10 =	vadd.s32 v11, v10  }
0x1ef: {  	v34 =	vmulhi.u32 $0x3FF801, v32;
	vm12 =	vlt.s32 v28, $0x400;
	v33 =	vadd.s32 $0x12001, v31  }
0x1f0: {  	vm13 =	veq.s32 v5, $0x0;
	v8 =	vadd.s32 $0x12000, v8;
	v5 =	vnsel vm12, $0x1A020, v33  }
0x1f1: {  	v35 =	vshrl.u32 v34, $0x1;
	v5 =	vsel vm13, v8, v5  }
0x1f2: {  	[tilespmem:s24+$0xFFFFFFE0] =	vst v5;
	v5 =	vmul.u32 $0xFFFFF7FF, v35  }
0x1f3: {  	v36 =	vld.idx.msk [tilespmem:v10+s16+$0x0], $0xffff  }
0x1f4: {  	v5 =	vadd.s32 v32, v5  }
0x1f5: {  	v37 =	vadd.s32 $0xFFFFFFFF, v5  }
0x1f6: {  	v38 =	vsub.s32 v35, v0;
	v7 =	vmul.u32 $0x401, v7;
	vm14 =	vgt.s32 v37, $0x0  }
0x1f7: {  	s28 =	sadd.s32 $0x50, s20;
	v11 =	vshll.u32 v38, $0xB;
	v10 =	vnsel vm14, $0x0, v37  }
0x1f8: {  	v40 =	vor.u32 s28, v1;
	v39 =	vadd.s32 v36, v7;
	v10 =	vadd.s32 v11, v10  }
0x1f9: {  	v42 =	vmulhi.u32 $0x3FF801, v40;
	vm15 =	vlt.s32 v36, $0x400;
	v41 =	vadd.s32 $0x12001, v39  }
0x1fa: {  	vm4 =	veq.s32 v6, $0x0;
	v7 =	vadd.s32 $0x12000, v7;
	v6 =	vnsel vm15, $0x1A020, v41  }
0x1fb: {  	v6 =	vsel vm4, v7, v6;
	v7 =	vshrl.u32 v42, $0x1  }
0x1fc: {  	[tilespmem:s24+$0xFFFFFFF0] =	vst v6;
	v6 =	vmul.u32 $0xFFFFF7FF, v7  }
0x1fd: {  	v43 =	vld.idx.msk [tilespmem:v10+s16+$0x0], $0xffff  }
0x1fe: {  	v6 =	vadd.s32 v40, v6  }
0x1ff: {  	v44 =	vadd.s32 $0xFFFFFFFF, v6  }
0x200: {  	v8 =	vmul.u32 $0x401, v35;
	v45 =	vsub.s32 v7, v0;
	vm5 =	vgt.s32 v44, $0x0  }
0x201: {  	s29 =	sadd.s32 $0x60, s20;
	v11 =	vshll.u32 v45, $0xB;
	v10 =	vnsel vm5, $0x0, v44  }
0x202: {  	v47 =	vor.u32 s29, v1;
	v46 =	vadd.s32 v43, v8;
	v10 =	vadd.s32 v11, v10  }
0x203: {  	v49 =	vmulhi.u32 $0x3FF801, v47;
	vm6 =	vlt.s32 v43, $0x400;
	v48 =	vadd.s32 $0x12001, v46  }
0x204: {  	vm7 =	veq.s32 v5, $0x0;
	v8 =	vadd.s32 $0x12000, v8;
	v5 =	vnsel vm6, $0x1A020, v48  }
0x205: {  	v50 =	vshrl.u32 v49, $0x1;
	v5 =	vsel vm7, v8, v5  }
0x206: {  	[tilespmem:s24+$0x0] =	vst v5;
	v5 =	vmul.u32 $0xFFFFF7FF, v50  }
0x207: {  	v51 =	vld.idx.msk [tilespmem:v10+s16+$0x0], $0xffff  }
0x208: {  	v5 =	vadd.s32 v47, v5  }
0x209: {  	v52 =	vadd.s32 $0xFFFFFFFF, v5  }
0x20a: {  	v53 =	vsub.s32 v50, v0;
	v7 =	vmul.u32 $0x401, v7;
	vm8 =	vgt.s32 v52, $0x0  }
0x20b: {  	s30 =	sadd.s32 $0x70, s20;
	v11 =	vshll.u32 v53, $0xB;
	v10 =	vnsel vm8, $0x0, v52  }
0x20c: {  	v55 =	vor.u32 s30, v1;
	v54 =	vadd.s32 v51, v7;
	v10 =	vadd.s32 v11, v10  }
0x20d: {  	v57 =	vmulhi.u32 $0x3FF801, v55;
	vm9 =	vlt.s32 v51, $0x400;
	v56 =	vadd.s32 $0x12001, v54  }
0x20e: {  	vm10 =	veq.s32 v6, $0x0;
	v7 =	vadd.s32 $0x12000, v7;
	v6 =	vnsel vm9, $0x1A020, v56  }
0x20f: {  	v6 =	vsel vm10, v7, v6;
	v7 =	vshrl.u32 v57, $0x1  }
0x210: {  	[tilespmem:s24+$0x10] =	vst v6;
	v6 =	vmul.u32 $0xFFFFF7FF, v7  }
0x211: {  	v58 =	vld.idx.msk [tilespmem:v10+s16+$0x0], $0xffff  }
0x212: {  	v6 =	vadd.s32 v55, v6  }
0x213: {  	v59 =	vadd.s32 $0xFFFFFFFF, v6  }
0x214: {  	v8 =	vmul.u32 $0x401, v50;
	v60 =	vsub.s32 v7, v0;
	vm11 =	vgt.s32 v59, $0x0  }
0x215: {  	v11 =	vshll.u32 v60, $0xB;
	v10 =	vnsel vm11, $0x0, v59  }
0x216: {  	v61 =	vadd.s32 v58, v8;
	v10 =	vadd.s32 v11, v10  }
0x217: {  	vm12 =	vlt.s32 v58, $0x400;
	v62 =	vadd.s32 $0x12001, v61  }
0x218: {  	vm13 =	veq.s32 v5, $0x0;
	v8 =	vadd.s32 $0x12000, v8;
	v5 =	vnsel vm12, $0x1A020, v62  }
0x219: {  	v5 =	vsel vm13, v8, v5  }
0x21a: {  	[tilespmem:s24+$0x20] =	vst v5  }
0x21b: {  	v5 =	vld.idx.msk [tilespmem:v10+s16+$0x0], $0xffff;
	_ =	sdelay $0x2  }
0x21c: {  	v7 =	vmul.u32 $0x401, v7;
	_ =	sdelay $0x1  }
0x21d: {  	v63 =	vadd.s32 v5, v7  }
0x21e: {  	vm14 =	vlt.s32 v5, $0x400;
	v5 =	vadd.s32 $0x12001, v63  }
0x21f: {  	vm15 =	veq.s32 v6, $0x0;
	v7 =	vadd.s32 $0x12000, v7;
	v5 =	vnsel vm14, $0x1A020, v5  }
0x220: {  	v5 =	vsel vm15, v7, v5  }
0x221: {  	s31 =	simm.s32 $0x3400;
	[tilespmem:s24+$0x30] =	vst v5  }
0x222: {  	[tilespmem:s14], [sflag:$0x1] =	stream.indirect.gather [hbm4b:s3+s13], $0x80, s31, s13, $0xb8;
	[tilespmem:$0x7C80] =	vst v63  }
0x223: {  	_ =	swait.ge [sflag:s15], $0x4000  }
0x224: {  	[sflag:s15] =	ssyncset.done $0x0  }
0x225: {  	[sflag:s15] =	ssyncadd.s32 $0xFFFFC000  }
0x226: {  	[hbm4b:s11+s2] =	stream.linear.scatter [tilespmem:s14], [sflag:$0x2], $0x4000, $0x38;
	[tilespmem:$0x7C80] =	vst v63  }
0x227: {  	s20 =	simm.s32 $0x400;
	_ =	swait.ge [sflag:s12], $0x4000  }
0x228: {  	s21 =	simm.s32 $0x80;
	s19 =	sadd.s32 $0x800, s11;
	[sflag:s12] =	ssyncset.done $0x0  }
.LBB2_9:
0x229: {  	s21 =	sadd.s32 $0x3400, s21  }
0x22a: {  	[sflag:s12] =	ssyncadd.s32 $0xFFFFC000;
	s22 =	smov.u32 s20;
	s23 =	sadd.s32 $0x200, s20  }
0x22b: {  	[tilespmem:s14], [sflag:$0x1] =	stream.indirect.gather [hbm4b:s3+s13], $0x80, s21, s13, $0xb8;
	[tilespmem:$0x7C80] =	vst v63  }
0x22c: {  	p1 =	sne.s32 s20, $0x1E00;
	_ =	swait.ge [sflag:s15], $0x4000  }
.Ltmp5:
0x22d: {  	[sflag:s15] =	ssyncset.done $0x0;
	(pc) =	sbr.rel @p1 .LBB2_9-.Ltmp5, $4  }
0x22e: {  	[sflag:s15] =	ssyncadd.s32 $0xFFFFC000  }
0x22f: {  	[hbm4b:s19+s2] =	stream.linear.scatter [tilespmem:s14], [sflag:$0x2], $0x4000, $0x38;
	[tilespmem:$0x7C80] =	vst v63  }
0x230: {  	s21 =	sshra.s32 s22, $0x2;
	_ =	swait.ge [sflag:s12], $0x4000  }
0x231: {  	s20 =	smov.u32 s23;
	s19 =	sadd.s32 $0x800, s19;
	[sflag:s12] =	ssyncset.done $0x0  }
0x232: {  	s20 =	sadd.s32 $0x3400, s21;
	[sflag:s12] =	ssyncadd.s32 $0xFFFFC000  }
0x233: {  	[tilespmem:s14], [sflag:$0x1] =	stream.indirect.gather [hbm4b:s3+s13], $0x80, s20, s13, $0xb8;
	[tilespmem:$0x7C80] =	vst v63  }
0x234: {  	_ =	swait.ge [sflag:s15], $0x4000  }
0x235: {  	[sflag:s15] =	ssyncset.done $0x0  }
0x236: {  	[sflag:s15] =	ssyncadd.s32 $0xFFFFC000  }
0x237: {  	[hbm4b:s19+s2] =	stream.linear.scatter [tilespmem:s14], [sflag:$0x2], $0x4000, $0x38;
	[tilespmem:$0x7C80] =	vst v63  }
0x238: {  	_ =	swait.ge [sflag:s12], $0x4000  }
0x239: {  	[sflag:s12] =	ssyncset.done $0x0  }
0x23a: {  	s19 =	simm.s32 @!p0 $0x2400;
	[sflag:s12] =	ssyncadd.s32 $0xFFFFC000  }
0x23b: {  	v5 =	vld.idx.msk @!p0 [tilespmem:v3+s19+$0x0], $0xffff;
	_ =	sdelay $0x4  }
0x23c: {  	vm0 =	vlt.s32 @!p0 v5, $0x400  }
0x23d: {  	v5 =	vnsel @!p0 vm0, $0x400, v5  }
0x23e: {  	v5 =	vadd.s32 @!p0 $0x19C20, v5  }
0x23f: {  	[tilespmem:$0x3C00] =	vst @!p0 v5  }
0x240: {  	v5 =	vld.idx.msk @!p0 [tilespmem:v4+s19+$0x0], $0xffff;
	_ =	sdelay $0x4  }
0x241: {  	vm0 =	vlt.s32 @!p0 v5, $0x400  }
0x242: {  	v5 =	vnsel @!p0 vm0, $0x400, v5  }
0x243: {  	v5 =	vadd.s32 @!p0 $0x19C20, v5  }
0x244: {  	s21 =	simm.s32 @!p0 $0x3C80;
	s20 =	simm.s32 @!p0 $0x3C00;
	s19 =	simm.s32 @!p0 $0x20;
	[tilespmem:$0x3C10] =	vst @!p0 v5  }
0x245: {  	[tilespmem:s21], [sflag:$0x1] =	stream.indirect.gather @!p0 [hbm4b:s3+s19], $0x80, s20, s19, $0xb8;
	[tilespmem:$0x7C80] =	vst v63  }
0x246: {  	s19 =	simm.s32 @!p0 $0x1  }
0x247: {  	_ =	swait.ge @!p0 [sflag:s19], $0x1000  }
0x248: {  	s18 =	sadd.s32 $0x1, s18;
	[sflag:s19] =	ssyncset.done @!p0 $0x0  }
0x249: {  	p1 =	sne.s32 s18, s6;
	[sflag:s19] =	ssyncadd.s32 @!p0 $0xFFFFF000;
	s19 =	simm.s32 @!p0 $0x0  }
0x24a: {  	[hbm4b:s5+s19] =	stream.linear.scatter @!p0 [tilespmem:s21], [sflag:$0x2], $0x1000, $0x38;
	[tilespmem:$0x7C80] =	vst v63  }
.Ltmp6:
0x24b: {  	_ = 	snop;
	(pc) =	sbr.rel @p1 .LBB2_1-.Ltmp6, $4  }
0x24c: {  	s19 =	simm.s32 @!p0 $0x2  }
0x24d: {  	_ =	swait.ge @!p0 [sflag:s19], $0x1000  }
0x24e: {  	[sflag:s19] =	ssyncset.done @!p0 $0x0  }
0x24f: {  	[sflag:s19] =	ssyncadd.s32 @!p0 $0xFFFFF000  }
0x250: {  	_ =	sfence.sel $0x180000  }
0x251: {  	[bflag:$0x0] =	sbarrier.arrive $0xFFFF  }
0x252: {  	p0 =	sne.s32 s1, $0x0;
	_ =	strace $0x90000047  }
0x253: {  	s0 =	sadd.s32 @!p0 $0x100000, s0;
	[bflag:$0x2] =	sbarrier.arrive $0xFFFF  }
0x254: {  	[sflag:s0] =	ssyncadd.tile.s32 @!p0 $0x1;
	_ =	shalt  }
.Lfunc_end2:
_tile_overlayer_lowered:
.L_overlay_start_2:
0x255: {  	(tag) =	ssettag $0x2  }
0x256: {  	s0 =	rddreg [dreg:$0x0];
	s2 =	stileid.u32  }
0x257: {  	s1 =	rddreg [dreg:$0x1];
	p0 =	sne.s32 s2, $0x0  }
0x258: {  	s3 =	rddreg [dreg:$0x2];
	[bflag:$0x3] =	sbarrier.arrive $0xFFFF;
	s2 =	simm.s32 @!p0 $0x1C02  }
0x259: {  	[timem:s3], [sflag:s2] =	dma.local @!p0 [hbm:s0], s1  }
0x25a: {  	s0 =	simm.s32 @!p0 $0x2  }
0x25b: {  	_ =	swait.ge @!p0 [sflag:s0], s1  }
0x25c: {  	s1 =	ssub.s32 @!p0 $0x0, s1;
	[sflag:s0] =	ssyncset.done @!p0 $0x0  }
0x25d: {  	[sflag:s0] =	ssyncadd.s32 @!p0 s1  }
0x25e: {  	[bflag:$0x3] =	sbarrier.arrive $0xFFFF  }
0x25f: {  	_ =	shalt  }

</sc_bundles>
